<compile_context>
chip_gen: v7x
topology: tpu7x:2x2x1
jax: 0.10.2.dev20260603
libtpu: 0.0.44.dev20260713+nightly
codegen_flags: <defaults>
</compile_context>

<pallas_src>
import functools

import jax
import jax.numpy as jnp
from jax import lax
from jax.experimental import pallas as pl
from jax.experimental.pallas import tpu as pltpu
from jax.experimental.pallas import tpu_sc as plsc

_N = 10000
_E = 320000
_D = 128
_H = 128
_DE = 16
_CD = 3

_NC = 2
_NS = 16
_NW = _NC * _NS
_EPW = _E // _NW
_KB = 80
_NCHUNK = _EPW // _KB

_mesh = plsc.VectorSubcoreMesh(core_axis_name="c", subcore_axis_name="s")


def _silu(x):
    return x / (1.0 + jnp.exp(-x))



def _stage_a_body(node_ref, ws_ref, wd_ref, be1_ref, ts_ref, td_ref):
    n = node_ref[...]
    ts_ref[...] = jnp.dot(n, ws_ref[...],
                          preferred_element_type=jnp.float32) + be1_ref[...]
    td_ref[...] = jnp.dot(n, wd_ref[...], preferred_element_type=jnp.float32)


def _stage_a(node, Ws, Wd, be1):
    NB = 1000
    return pl.pallas_call(
        _stage_a_body,
        grid=(_N // NB,),
        in_specs=[
            pl.BlockSpec((NB, _D), lambda i: (i, 0)),
            pl.BlockSpec((_D, _D), lambda i: (0, 0)),
            pl.BlockSpec((_D, _D), lambda i: (0, 0)),
            pl.BlockSpec((1, _D), lambda i: (0, 0)),
        ],
        out_specs=[pl.BlockSpec((NB, _D), lambda i: (i, 0))] * 2,
        out_shape=[jax.ShapeDtypeStruct((_N, _D), jnp.float32)] * 2,
    )(node, Ws, Wd, be1)



@functools.partial(
    pl.kernel,
    mesh=_mesh,
    out_type=[jax.ShapeDtypeStruct((_E, _D), jnp.float32)] * 2
             + [jax.ShapeDtypeStruct((_E,), jnp.float32)] * 3,
    scratch_types=[
        pltpu.VMEM((_KB,), jnp.int32),
        pltpu.VMEM((_KB,), jnp.int32),
        pltpu.VMEM((_KB, _D), jnp.float32),
        pltpu.VMEM((_KB, _D), jnp.float32),
        pltpu.VMEM((6, _KB), jnp.float32),
        pltpu.VMEM((_KB,), jnp.float32),
        pltpu.VMEM((_KB,), jnp.float32),
        pltpu.VMEM((_KB,), jnp.float32),
        pltpu.SemaphoreType.DMA,
        pltpu.SemaphoreType.DMA,
    ],
)
def _stage_b(ts_hbm, td_hbm, src_hbm, dst_hbm, cx_hbm, cy_hbm, cz_hbm,
             gs_hbm, gd_hbm, xx_hbm, xy_hbm, xz_hbm,
             idxs_v, idxd_v, rs_v, rd_v, cab_v,
             bx_v, by_v, bz_v, sem_r, sem_c):
    wid = lax.axis_index("s") * _NC + lax.axis_index("c")
    base = wid * _EPW

    def body(ci, carry):
        off = base + ci * _KB
        pltpu.sync_copy(src_hbm.at[pl.ds(off, _KB)], idxs_v)
        pltpu.sync_copy(dst_hbm.at[pl.ds(off, _KB)], idxd_v)
        cps = pltpu.async_copy(ts_hbm.at[idxs_v], rs_v, sem_r)
        cpd = pltpu.async_copy(td_hbm.at[idxd_v], rd_v, sem_r)
        ccs = []
        for k, (ctab, iv) in enumerate((
                (cx_hbm, idxs_v), (cy_hbm, idxs_v), (cz_hbm, idxs_v),
                (cx_hbm, idxd_v), (cy_hbm, idxd_v), (cz_hbm, idxd_v))):
            ccs.append(pltpu.async_copy(ctab.at[iv], cab_v.at[k], sem_c))
        for cc in ccs:
            cc.wait()
        for j in range(_KB // 16):
            sl = pl.ds(j * 16, 16)
            for k, bref in ((0, bx_v), (1, by_v), (2, bz_v)):
                d = cab_v[k, sl] - cab_v[k + 3, sl]
                w = jnp.where(jnp.abs(d) > 0.5, jnp.sign(d), 0.0)
                bref[sl] = d - w
        cps.wait()
        cpd.wait()
        pltpu.sync_copy(rs_v, gs_hbm.at[pl.ds(off, _KB)])
        pltpu.sync_copy(rd_v, gd_hbm.at[pl.ds(off, _KB)])
        pltpu.sync_copy(bx_v, xx_hbm.at[pl.ds(off, _KB)])
        pltpu.sync_copy(by_v, xy_hbm.at[pl.ds(off, _KB)])
        pltpu.sync_copy(bz_v, xz_hbm.at[pl.ds(off, _KB)])
        return carry

    lax.fori_loop(0, _NCHUNK, body, 0)



def _stage_c_body(gs_ref, gd_ref, ef_ref, xx_ref, xy_ref, xz_ref,
                  we2_ref, be2_ref, wc1_ref, bc1_ref, wc2_ref, wr_ref,
                  we_ref, m1_ref, m2_ref):
    B = gs_ref.shape[0]
    p = gs_ref[...] + gd_ref[...]
    x3 = jnp.concatenate([xx_ref[...].reshape(1, B), xy_ref[...].reshape(1, B),
                          xz_ref[...].reshape(1, B)], axis=0)
    eye = (lax.broadcasted_iota(jnp.int32, (B, B), 0)
           == lax.broadcasted_iota(jnp.int32, (B, B), 1)).astype(jnp.float32)
    xd = lax.dot_general(eye, x3, (((1,), (1,)), ((), ())),
                         preferred_element_type=jnp.float32)
    radial = jnp.sum(xd * xd, axis=1, keepdims=True)
    t1 = p + radial * wr_ref[...] + jnp.dot(
        ef_ref[...], we_ref[...], preferred_element_type=jnp.float32)
    u = _silu(t1)
    m = _silu(jnp.dot(u, we2_ref[...], preferred_element_type=jnp.float32)
              + be2_ref[...])
    c2 = _silu(jnp.dot(m, wc1_ref[...], preferred_element_type=jnp.float32)
               + bc1_ref[...])
    coef = jnp.sum(c2 * wc2_ref[...], axis=1, keepdims=True)
    m1_ref[...] = m
    m2_ref[...] = jnp.concatenate(
        [coef * xd, jnp.ones((B, 1), jnp.float32),
         jnp.zeros((B, _D - _CD - 1), jnp.float32)], axis=1)


def _stage_c(gs, gd, ef, xx, xy, xz, We2, be2, Wc1, bc1, wc2row, wr, We):
    B = 512
    full = lambda i: (0, 0)
    return pl.pallas_call(
        _stage_c_body,
        grid=(_E // B,),
        in_specs=[
            pl.BlockSpec((B, _D), lambda i: (i, 0)),
            pl.BlockSpec((B, _D), lambda i: (i, 0)),
            pl.BlockSpec((B, _DE), lambda i: (i, 0)),
            pl.BlockSpec((B,), lambda i: (i,)),
            pl.BlockSpec((B,), lambda i: (i,)),
            pl.BlockSpec((B,), lambda i: (i,)),
            pl.BlockSpec((_H, _H), full),
            pl.BlockSpec((1, _H), full),
            pl.BlockSpec((_H, _H), full),
            pl.BlockSpec((1, _H), full),
            pl.BlockSpec((1, _H), full),
            pl.BlockSpec((1, _H), full),
            pl.BlockSpec((_DE, _H), full),
        ],
        out_specs=[pl.BlockSpec((B, _D), lambda i: (i, 0))] * 2,
        out_shape=[jax.ShapeDtypeStruct((_E, _D), jnp.float32)] * 2,
    )(gs, gd, ef, xx, xy, xz, We2, be2, Wc1, bc1, wc2row, wr, We)



def _make_scatter():
    @functools.partial(
        pl.kernel,
        mesh=_mesh,
        out_type=jax.ShapeDtypeStruct((_NC, _N, _D), jnp.float32),
        scratch_types=[
            pltpu.VMEM((_KB,), jnp.int32),
            pltpu.VMEM((_KB, _D), jnp.float32),
            pltpu.VMEM_SHARED((_N, _D), jnp.float32),
        ],
    )
    def _scatter(m_hbm, dst_hbm, zeros_hbm, out_hbm, idx_v, upd_v, acc_sh):
        cid = lax.axis_index("c")
        sid = lax.axis_index("s")
        @pl.when(sid < 15)
        def _():
            r0 = sid * 640
            pltpu.sync_copy(zeros_hbm.at[pl.ds(r0, 640)],
                            acc_sh.at[pl.ds(r0, 640)])
        @pl.when(sid == 15)
        def _():
            pltpu.sync_copy(zeros_hbm.at[pl.ds(9600, 400)],
                            acc_sh.at[pl.ds(9600, 400)])
        plsc.subcore_barrier()
        base = cid * (_E // _NC) + sid * _EPW

        def body(ci, carry):
            off = base + ci * _KB
            pltpu.sync_copy(dst_hbm.at[pl.ds(off, _KB)], idx_v)
            pltpu.sync_copy(m_hbm.at[pl.ds(off, _KB)], upd_v)
            pltpu.sync_copy(upd_v, acc_sh.at[idx_v], add=True)
            return carry

        lax.fori_loop(0, _NCHUNK, body, 0)
        plsc.subcore_barrier()
        @pl.when(sid < 15)
        def _():
            r0 = sid * 640
            pltpu.sync_copy(acc_sh.at[pl.ds(r0, 640)],
                            out_hbm.at[cid, pl.ds(r0, 640)])
        @pl.when(sid == 15)
        def _():
            pltpu.sync_copy(acc_sh.at[pl.ds(9600, 400)],
                            out_hbm.at[cid, pl.ds(9600, 400)])

    return _scatter


_stage_d = _make_scatter()



def _stage_e_body(h0_ref, h1_ref, x0_ref, x1_ref, node_ref, coord_ref,
                  wn1a_ref, wn1b_ref, bn1_ref, wn2_ref, bn2_ref,
                  h_ref, x_ref):
    hn = h0_ref[...] + h1_ref[...]
    t2 = x0_ref[...] + x1_ref[...]
    xs = t2[:, 0:_CD]
    deg = t2[:, _CD:_CD + 1]
    h1 = _silu(jnp.dot(node_ref[...], wn1a_ref[...],
                       preferred_element_type=jnp.float32)
               + jnp.dot(hn, wn1b_ref[...], preferred_element_type=jnp.float32)
               + bn1_ref[...])
    h_ref[...] = jnp.dot(h1, wn2_ref[...],
                         preferred_element_type=jnp.float32) + bn2_ref[...]
    x_ref[...] = coord_ref[...] + xs / jnp.maximum(deg, 1.0)


def _stage_e(hp0, hp1, xp0, xp1, node, coord, Wn1a, Wn1b, bn1, Wn2, bn2):
    NB = 1000
    full = lambda i: (0, 0)
    return pl.pallas_call(
        _stage_e_body,
        grid=(_N // NB,),
        in_specs=[
            pl.BlockSpec((NB, _D), lambda i: (i, 0)),
            pl.BlockSpec((NB, _D), lambda i: (i, 0)),
            pl.BlockSpec((NB, _D), lambda i: (i, 0)),
            pl.BlockSpec((NB, _D), lambda i: (i, 0)),
            pl.BlockSpec((NB, _D), lambda i: (i, 0)),
            pl.BlockSpec((NB, _CD), lambda i: (i, 0)),
            pl.BlockSpec((_D, _H), full),
            pl.BlockSpec((_H, _H), full),
            pl.BlockSpec((1, _H), full),
            pl.BlockSpec((_H, _D), full),
            pl.BlockSpec((1, _D), full),
        ],
        out_specs=[
            pl.BlockSpec((NB, _D), lambda i: (i, 0)),
            pl.BlockSpec((NB, _CD), lambda i: (i, 0)),
        ],
        out_shape=[
            jax.ShapeDtypeStruct((_N, _D), jnp.float32),
            jax.ShapeDtypeStruct((_N, _CD), jnp.float32),
        ],
    )(hp0, hp1, xp0, xp1, node, coord, Wn1a, Wn1b, bn1, Wn2, bn2)



def kernel(node_feat, coord_feat, edge_feat, edge_index,
           We1, be1, We2, be2, Wn1, bn1, Wn2, bn2, Wc1, bc1, Wc2):
    src = edge_index[0]
    dst = edge_index[1]
    Ws = We1[0:_D]
    Wd = We1[_D:2 * _D]
    wr = We1[2 * _D:2 * _D + 1]
    We = We1[2 * _D + 1:]
    cx = coord_feat[:, 0]
    cy = coord_feat[:, 1]
    cz = coord_feat[:, 2]
    ts, td = _stage_a(node_feat, Ws, Wd, be1.reshape(1, _D))
    gs, gd, xx, xy, xz = _stage_b(ts, td, src, dst, cx, cy, cz)
    m1, m2 = _stage_c(gs, gd, edge_feat, xx, xy, xz, We2,
                      be2.reshape(1, _H), Wc1, bc1.reshape(1, _H),
                      Wc2.reshape(1, _H), wr, We)
    zeros = jnp.zeros((_N, _D), jnp.float32)
    p1 = _stage_d(m1, dst, zeros)
    p2 = _stage_d(m2, dst, zeros)
    h, x = _stage_e(p1[0], p1[1], p2[0], p2[1], node_feat, coord_feat,
                    Wn1[0:_D], Wn1[_D:], bn1.reshape(1, _H), Wn2,
                    bn2.reshape(1, _D))
    return (h, x)

# --- scband reference (transcript-rebuilt; emitter-appended) ---
"""Pipeline reference for scband-egnnconv-27324581937800 (READ-ONLY COPY).

The authoritative reference and input builder live on the scoring server;
editing this copy changes nothing except your own understanding.
"""

import jax, jax.numpy as jnp
import numpy as np

N = 10000
E = 320000
D = 128
H = 128
DE = 16
CD = 3


def setup_inputs(seed: int = 0) -> dict:
    key = jax.random.key(seed)
    ks = jax.random.split(key, 20)
    node_feat = jax.random.normal(ks[0], (N, D), jnp.float32)
    coord_feat = jax.random.uniform(ks[1], (N, CD), jnp.float32)
    edge_feat = jax.random.normal(ks[2], (E, DE), jnp.float32)
    edge_index = jax.random.randint(ks[3], (2, E), 0, N, jnp.int32)
    # edge_mlp: Linear(2D+DE+1 -> H), SiLU, Linear(H -> H), SiLU
    f_in = 2 * D + DE + 1
    We1 = jax.random.normal(ks[4], (f_in, H), jnp.float32) * (1.0 / np.sqrt(f_in))
    be1 = jnp.zeros((H,), jnp.float32)
    We2 = jax.random.normal(ks[5], (H, H), jnp.float32) * (1.0 / np.sqrt(H))
    be2 = jnp.zeros((H,), jnp.float32)
    # node_mlp: Linear(D+H -> H), SiLU, Linear(H -> D_out)
    Wn1 = jax.random.normal(ks[6], (D + H, H), jnp.float32) * (1.0 / np.sqrt(D + H))
    bn1 = jnp.zeros((H,), jnp.float32)
    Wn2 = jax.random.normal(ks[7], (H, D), jnp.float32) * (1.0 / np.sqrt(H))
    bn2 = jnp.zeros((D,), jnp.float32)
    # coord_mlp: Linear(H -> H), SiLU, Linear(H -> 1, bias=False)
    Wc1 = jax.random.normal(ks[8], (H, H), jnp.float32) * (1.0 / np.sqrt(H))
    bc1 = jnp.zeros((H,), jnp.float32)
    Wc2 = jax.random.normal(ks[9], (H, 1), jnp.float32) * (1.0 / np.sqrt(H))
    return {
        'node_feat': node_feat, 'coord_feat': coord_feat, 'edge_feat': edge_feat,
        'edge_index': edge_index,
        'We1': We1, 'be1': be1, 'We2': We2, 'be2': be2,
        'Wn1': Wn1, 'bn1': bn1, 'Wn2': Wn2, 'bn2': bn2,
        'Wc1': Wc1, 'bc1': bc1, 'Wc2': Wc2,
    }


def _periodic_difference(a, b):
    # minimum-image periodic difference in a unit box
    d = a - b
    return d - jnp.round(d)


def reference(node_feat, coord_feat, edge_feat, edge_index,
              We1, be1, We2, be2, Wn1, bn1, Wn2, bn2, Wc1, bc1, Wc2):
    src = edge_index[0]
    dst = edge_index[1]
    # apply_edges: periodic coordinate difference per edge
    x_diff = _periodic_difference(coord_feat[src], coord_feat[dst])
    radial = jnp.sum(jnp.square(x_diff), axis=1, keepdims=True)
    # message: edge_mlp on concat(h_src, h_dst, radial, a)
    f = jnp.concatenate([node_feat[src], node_feat[dst], radial, edge_feat], axis=-1)
    msg_h = jax.nn.silu(jax.nn.silu(f @ We1 + be1) @ We2 + be2)
    coef = jax.nn.silu(msg_h @ Wc1 + bc1) @ Wc2
    msg_x = coef * x_diff
    # update_all: mean(msg_x) and sum(msg_h) over incoming edges (by dst)
    x_sum = jax.ops.segment_sum(msg_x, dst, num_segments=N)
    deg = jax.ops.segment_sum(jnp.ones((msg_x.shape[0], 1), msg_x.dtype), dst, num_segments=N)
    x_neigh = x_sum / jnp.maximum(deg, 1.0)
    h_neigh = jax.ops.segment_sum(msg_h, dst, num_segments=N)
    # node_mlp (graph_feat u is None -> graph_mlp branch skipped)
    h = jax.nn.silu(jnp.concatenate([node_feat, h_neigh], axis=-1) @ Wn1 + bn1) @ Wn2 + bn2
    x = coord_feat + x_neigh
    return (h, x)

if __name__ == "__main__":
    import jax
    _d = setup_inputs()
    print(jax.jit(kernel)(*tuple(_d.values())))

</pallas_src>

<mosaic_0001>
#map = affine_map<(d0, d1) -> (0, 0)>
#map1 = affine_map<(d0, d1) -> (0)>
#map2 = affine_map<(d0, d1) -> (0, 0, 0)>
module attributes {stable_mosaic.version = 14 : i64} {
  func.func @_scatter(%arg0: i32, %arg1: i32, %arg2: memref<320000x128xf32, #tpu.memory_space<hbm>>, %arg3: memref<320000xi32, #tpu.memory_space<hbm>>, %arg4: memref<10000x128xf32, #tpu.memory_space<hbm>>, %arg5: memref<2x10000x128xf32, #tpu.memory_space<hbm>>, %arg6: memref<80xi32, #tpu.memory_space<vmem>>, %arg7: memref<80x128xf32, #tpu.memory_space<vmem>>, %arg8: memref<10000x128xf32, #tpu.memory_space<vmem_shared>>) attributes {dimension_semantics = [#tpu.dimension_semantics<core_parallel>, #tpu.dimension_semantics<subcore_parallel>], iteration_bounds = array<i64: 2, 16>, scalar_prefetch = 0 : i64, scratch_operands = 3 : i64, tpu.core_type = #tpu.core_type<sc_vector_subcore>, window_params = [{transform_indices = #map}, {transform_indices = #map1}, {transform_indices = #map}, {transform_indices = #map2}]} {
    %lt3A = arith.constant 15 : i32
    %lt3A_0 = arith.cmpi slt, %arg1, %lt3A : i32
    %convert_element_type3A = arith.extui %lt3A_0 : i1 to i32
    %cond3A = arith.constant 0 : i32
    %cond3A_1 = arith.cmpi ne, %convert_element_type3A, %cond3A : i32
    scf.if %cond3A_1 {
      %mul3A_25 = arith.constant 640 : i32
      %mul3A_26 = arith.muli %arg1, %mul3A_25 : i32
      "tpu.region"() ({
        %run_scoped3A = tpu.sem_alloc : memref<!tpu.dma_semaphore, #tpu.memory_space<semaphore_mem>>
        %dma_start3A = arith.constant 0 : i32
        %dma_start3A_27 = tpu.memref_slice %arg8[%mul3A_26, %dma_start3A] : memref<10000x128xf32, #tpu.memory_space<vmem_shared>> -> memref<640x128xf32, #tpu.memory_space<vmem_shared>>
        %dma_start3A_28 = arith.constant 0 : i32
        %dma_start3A_29 = tpu.memref_slice %arg4[%mul3A_26, %dma_start3A_28] : memref<10000x128xf32, #tpu.memory_space<hbm>> -> memref<640x128xf32, #tpu.memory_space<hbm>>
        tpu.enqueue_dma source(%dma_start3A_29 : memref<640x128xf32, #tpu.memory_space<hbm>>) target(%dma_start3A_27 : memref<640x128xf32, #tpu.memory_space<vmem_shared>>) target_semaphore(%run_scoped3A : memref<!tpu.dma_semaphore, #tpu.memory_space<semaphore_mem>>)
        %dma_wait3A = arith.constant 0 : i32
        %dma_wait3A_30 = tpu.memref_slice %arg8[%mul3A_26, %dma_wait3A] : memref<10000x128xf32, #tpu.memory_space<vmem_shared>> -> memref<640x128xf32, #tpu.memory_space<vmem_shared>>
        %dma_wait3A_31 = arith.constant 0 : i32
        %dma_wait3A_32 = tpu.memref_slice %arg4[%mul3A_26, %dma_wait3A_31] : memref<10000x128xf32, #tpu.memory_space<hbm>> -> memref<640x128xf32, #tpu.memory_space<hbm>>
        tpu.wait_dma2 semaphore(%run_scoped3A : memref<!tpu.dma_semaphore, #tpu.memory_space<semaphore_mem>>) src(%dma_wait3A_32 : memref<640x128xf32, #tpu.memory_space<hbm>>) dst(%dma_wait3A_30 : memref<640x128xf32, #tpu.memory_space<vmem_shared>>)
        tpu.yield
      }) : () -> ()
    } else {
    }
    %eq3A = arith.constant 15 : i32
    %eq3A_2 = arith.cmpi eq, %arg1, %eq3A : i32
    %convert_element_type3A_3 = arith.extui %eq3A_2 : i1 to i32
    %cond3A_4 = arith.constant 0 : i32
    %cond3A_5 = arith.cmpi ne, %convert_element_type3A_3, %cond3A_4 : i32
    scf.if %cond3A_5 {
      "tpu.region"() ({
        %run_scoped3A = tpu.sem_alloc : memref<!tpu.dma_semaphore, #tpu.memory_space<semaphore_mem>>
        %dma_start3A = arith.constant 9600 : i32
        %dma_start3A_25 = arith.constant 0 : i32
        %dma_start3A_26 = tpu.memref_slice %arg8[%dma_start3A, %dma_start3A_25] : memref<10000x128xf32, #tpu.memory_space<vmem_shared>> -> memref<400x128xf32, #tpu.memory_space<vmem_shared>>
        %dma_start3A_27 = arith.constant 9600 : i32
        %dma_start3A_28 = arith.constant 0 : i32
        %dma_start3A_29 = tpu.memref_slice %arg4[%dma_start3A_27, %dma_start3A_28] : memref<10000x128xf32, #tpu.memory_space<hbm>> -> memref<400x128xf32, #tpu.memory_space<hbm>>
        tpu.enqueue_dma source(%dma_start3A_29 : memref<400x128xf32, #tpu.memory_space<hbm>>) target(%dma_start3A_26 : memref<400x128xf32, #tpu.memory_space<vmem_shared>>) target_semaphore(%run_scoped3A : memref<!tpu.dma_semaphore, #tpu.memory_space<semaphore_mem>>)
        %dma_wait3A = arith.constant 9600 : i32
        %dma_wait3A_30 = arith.constant 0 : i32
        %dma_wait3A_31 = tpu.memref_slice %arg8[%dma_wait3A, %dma_wait3A_30] : memref<10000x128xf32, #tpu.memory_space<vmem_shared>> -> memref<400x128xf32, #tpu.memory_space<vmem_shared>>
        %dma_wait3A_32 = arith.constant 9600 : i32
        %dma_wait3A_33 = arith.constant 0 : i32
        %dma_wait3A_34 = tpu.memref_slice %arg4[%dma_wait3A_32, %dma_wait3A_33] : memref<10000x128xf32, #tpu.memory_space<hbm>> -> memref<400x128xf32, #tpu.memory_space<hbm>>
        tpu.wait_dma2 semaphore(%run_scoped3A : memref<!tpu.dma_semaphore, #tpu.memory_space<semaphore_mem>>) src(%dma_wait3A_34 : memref<400x128xf32, #tpu.memory_space<hbm>>) dst(%dma_wait3A_31 : memref<400x128xf32, #tpu.memory_space<vmem_shared>>)
        tpu.yield
      }) : () -> ()
    } else {
    }
    %barrier3A = arith.constant 0 : index
    tpu.barrier barrier_id(%barrier3A)
    %mul3A = arith.constant 160000 : i32
    %mul3A_6 = arith.muli %arg0, %mul3A : i32
    %mul3A_7 = arith.constant 10000 : i32
    %mul3A_8 = arith.muli %arg1, %mul3A_7 : i32
    %add3A = arith.addi %mul3A_6, %mul3A_8 : i32
    %scan3A = arith.constant 0 : i32
    %scan3A_9 = arith.constant 0 : i32
    %scan3A_10 = arith.constant 125 : i32
    %scan3A_11 = arith.addi %scan3A_9, %scan3A_10 : i32
    %scan3A_12 = arith.constant 1 : i32
    scf.for %scan3A_25 = %scan3A_9 to %scan3A_11 step %scan3A_12  : i32 {
      %mul3A_26 = arith.constant 80 : i32
      %mul3A_27 = arith.muli %scan3A_25, %mul3A_26 : i32
      %add3A_28 = arith.addi %add3A, %mul3A_27 : i32
      "tpu.region"() ({
        %run_scoped3A = tpu.sem_alloc : memref<!tpu.dma_semaphore, #tpu.memory_space<semaphore_mem>>
        %dma_start3A = tpu.memref_slice %arg3[%add3A_28] : memref<320000xi32, #tpu.memory_space<hbm>> -> memref<80xi32, #tpu.memory_space<hbm>>
        %dma_start3A_29 = tpu.memref_slice %arg3[%add3A_28] : memref<320000xi32, #tpu.memory_space<hbm>> -> memref<80xi32, #tpu.memory_space<hbm>>
        tpu.enqueue_dma source(%dma_start3A_29 : memref<80xi32, #tpu.memory_space<hbm>>) target(%arg6 : memref<80xi32, #tpu.memory_space<vmem>>) target_semaphore(%run_scoped3A : memref<!tpu.dma_semaphore, #tpu.memory_space<semaphore_mem>>)
        %dma_wait3A = tpu.memref_slice %arg3[%add3A_28] : memref<320000xi32, #tpu.memory_space<hbm>> -> memref<80xi32, #tpu.memory_space<hbm>>
        %dma_wait3A_30 = tpu.memref_slice %arg3[%add3A_28] : memref<320000xi32, #tpu.memory_space<hbm>> -> memref<80xi32, #tpu.memory_space<hbm>>
        tpu.wait_dma2 semaphore(%run_scoped3A : memref<!tpu.dma_semaphore, #tpu.memory_space<semaphore_mem>>) src(%dma_wait3A_30 : memref<80xi32, #tpu.memory_space<hbm>>) dst(%arg6 : memref<80xi32, #tpu.memory_space<vmem>>)
        tpu.yield
      }) : () -> ()
      "tpu.region"() ({
        %run_scoped3A = tpu.sem_alloc : memref<!tpu.dma_semaphore, #tpu.memory_space<semaphore_mem>>
        %dma_start3A = arith.constant 0 : i32
        %dma_start3A_29 = tpu.memref_slice %arg2[%add3A_28, %dma_start3A] : memref<320000x128xf32, #tpu.memory_space<hbm>> -> memref<80x128xf32, #tpu.memory_space<hbm>>
        %dma_start3A_30 = arith.constant 0 : i32
        %dma_start3A_31 = tpu.memref_slice %arg2[%add3A_28, %dma_start3A_30] : memref<320000x128xf32, #tpu.memory_space<hbm>> -> memref<80x128xf32, #tpu.memory_space<hbm>>
        tpu.enqueue_dma source(%dma_start3A_31 : memref<80x128xf32, #tpu.memory_space<hbm>>) target(%arg7 : memref<80x128xf32, #tpu.memory_space<vmem>>) target_semaphore(%run_scoped3A : memref<!tpu.dma_semaphore, #tpu.memory_space<semaphore_mem>>)
        %dma_wait3A = arith.constant 0 : i32
        %dma_wait3A_32 = tpu.memref_slice %arg2[%add3A_28, %dma_wait3A] : memref<320000x128xf32, #tpu.memory_space<hbm>> -> memref<80x128xf32, #tpu.memory_space<hbm>>
        %dma_wait3A_33 = arith.constant 0 : i32
        %dma_wait3A_34 = tpu.memref_slice %arg2[%add3A_28, %dma_wait3A_33] : memref<320000x128xf32, #tpu.memory_space<hbm>> -> memref<80x128xf32, #tpu.memory_space<hbm>>
        tpu.wait_dma2 semaphore(%run_scoped3A : memref<!tpu.dma_semaphore, #tpu.memory_space<semaphore_mem>>) src(%dma_wait3A_34 : memref<80x128xf32, #tpu.memory_space<hbm>>) dst(%arg7 : memref<80x128xf32, #tpu.memory_space<vmem>>)
        tpu.yield
      }) : () -> ()
      "tpu.region"() ({
        %run_scoped3A = tpu.sem_alloc : memref<!tpu.dma_semaphore, #tpu.memory_space<semaphore_mem>>
        %dma_start3A = arith.constant 0 : i32
        %dma_start3A_29 = arith.constant 0 : i32
        %dma_start3A_30 = tpu.memref_slice %arg8[%dma_start3A, %dma_start3A_29] : memref<10000x128xf32, #tpu.memory_space<vmem_shared>> -> memref<10000x128xf32, #tpu.memory_space<vmem_shared>>
        tpu.enqueue_indirect_dma source(%arg7 : memref<80x128xf32, #tpu.memory_space<vmem>>) target(%dma_start3A_30 : memref<10000x128xf32, #tpu.memory_space<vmem_shared>>) offsets(%arg6 : memref<80xi32, #tpu.memory_space<vmem>>) semaphore(%run_scoped3A : memref<!tpu.dma_semaphore, #tpu.memory_space<semaphore_mem>>) {add = true}
        %dma_wait3A = arith.constant 0 : i32
        %dma_wait3A_31 = arith.constant 0 : i32
        %dma_wait3A_32 = tpu.memref_slice %arg8[%dma_wait3A, %dma_wait3A_31] : memref<10000x128xf32, #tpu.memory_space<vmem_shared>> -> memref<10000x128xf32, #tpu.memory_space<vmem_shared>>
        tpu.wait_indirect_dma semaphore(%run_scoped3A : memref<!tpu.dma_semaphore, #tpu.memory_space<semaphore_mem>>) src(%arg7 : memref<80x128xf32, #tpu.memory_space<vmem>>) dst(%dma_wait3A_32 : memref<10000x128xf32, #tpu.memory_space<vmem_shared>>)
        tpu.yield
      }) : () -> ()
    }
    %scan3A_13 = arith.constant 125 : i32
    %barrier3A_14 = arith.constant 0 : index
    tpu.barrier barrier_id(%barrier3A_14)
    %lt3A_15 = arith.constant 15 : i32
    %lt3A_16 = arith.cmpi slt, %arg1, %lt3A_15 : i32
    %convert_element_type3A_17 = arith.extui %lt3A_16 : i1 to i32
    %cond3A_18 = arith.constant 0 : i32
    %cond3A_19 = arith.cmpi ne, %convert_element_type3A_17, %cond3A_18 : i32
    scf.if %cond3A_19 {
      %mul3A_25 = arith.constant 640 : i32
      %mul3A_26 = arith.muli %arg1, %mul3A_25 : i32
      "tpu.region"() ({
        %run_scoped3A = tpu.sem_alloc : memref<!tpu.dma_semaphore, #tpu.memory_space<semaphore_mem>>
        %dma_start3A = arith.constant 0 : i32
        %dma_start3A_27 = tpu.memref_slice %arg5[%arg0, %mul3A_26, %dma_start3A] : memref<2x10000x128xf32, #tpu.memory_space<hbm>> -> memref<1x640x128xf32, #tpu.memory_space<hbm>>
        %dma_start3A_28 = tpu.memref_squeeze %dma_start3A_27 : memref<1x640x128xf32, #tpu.memory_space<hbm>> -> memref<640x128xf32, #tpu.memory_space<hbm>>
        %dma_start3A_29 = arith.constant 0 : i32
        %dma_start3A_30 = tpu.memref_slice %arg8[%mul3A_26, %dma_start3A_29] : memref<10000x128xf32, #tpu.memory_space<vmem_shared>> -> memref<640x128xf32, #tpu.memory_space<vmem_shared>>
        tpu.enqueue_dma source(%dma_start3A_30 : memref<640x128xf32, #tpu.memory_space<vmem_shared>>) target(%dma_start3A_28 : memref<640x128xf32, #tpu.memory_space<hbm>>) target_semaphore(%run_scoped3A : memref<!tpu.dma_semaphore, #tpu.memory_space<semaphore_mem>>)
        %dma_wait3A = arith.constant 0 : i32
        %dma_wait3A_31 = tpu.memref_slice %arg5[%arg0, %mul3A_26, %dma_wait3A] : memref<2x10000x128xf32, #tpu.memory_space<hbm>> -> memref<1x640x128xf32, #tpu.memory_space<hbm>>
        %dma_wait3A_32 = tpu.memref_squeeze %dma_wait3A_31 : memref<1x640x128xf32, #tpu.memory_space<hbm>> -> memref<640x128xf32, #tpu.memory_space<hbm>>
        %dma_wait3A_33 = arith.constant 0 : i32
        %dma_wait3A_34 = tpu.memref_slice %arg8[%mul3A_26, %dma_wait3A_33] : memref<10000x128xf32, #tpu.memory_space<vmem_shared>> -> memref<640x128xf32, #tpu.memory_space<vmem_shared>>
        tpu.wait_dma2 semaphore(%run_scoped3A : memref<!tpu.dma_semaphore, #tpu.memory_space<semaphore_mem>>) src(%dma_wait3A_34 : memref<640x128xf32, #tpu.memory_space<vmem_shared>>) dst(%dma_wait3A_32 : memref<640x128xf32, #tpu.memory_space<hbm>>)
        tpu.yield
      }) : () -> ()
    } else {
    }
    %eq3A_20 = arith.constant 15 : i32
    %eq3A_21 = arith.cmpi eq, %arg1, %eq3A_20 : i32
    %convert_element_type3A_22 = arith.extui %eq3A_21 : i1 to i32
    %cond3A_23 = arith.constant 0 : i32
    %cond3A_24 = arith.cmpi ne, %convert_element_type3A_22, %cond3A_23 : i32
    scf.if %cond3A_24 {
      "tpu.region"() ({
        %run_scoped3A = tpu.sem_alloc : memref<!tpu.dma_semaphore, #tpu.memory_space<semaphore_mem>>
        %dma_start3A = arith.constant 9600 : i32
        %dma_start3A_25 = arith.constant 0 : i32
        %dma_start3A_26 = tpu.memref_slice %arg5[%arg0, %dma_start3A, %dma_start3A_25] : memref<2x10000x128xf32, #tpu.memory_space<hbm>> -> memref<1x400x128xf32, #tpu.memory_space<hbm>>
        %dma_start3A_27 = tpu.memref_squeeze %dma_start3A_26 : memref<1x400x128xf32, #tpu.memory_space<hbm>> -> memref<400x128xf32, #tpu.memory_space<hbm>>
        %dma_start3A_28 = arith.constant 9600 : i32
        %dma_start3A_29 = arith.constant 0 : i32
        %dma_start3A_30 = tpu.memref_slice %arg8[%dma_start3A_28, %dma_start3A_29] : memref<10000x128xf32, #tpu.memory_space<vmem_shared>> -> memref<400x128xf32, #tpu.memory_space<vmem_shared>>
        tpu.enqueue_dma source(%dma_start3A_30 : memref<400x128xf32, #tpu.memory_space<vmem_shared>>) target(%dma_start3A_27 : memref<400x128xf32, #tpu.memory_space<hbm>>) target_semaphore(%run_scoped3A : memref<!tpu.dma_semaphore, #tpu.memory_space<semaphore_mem>>)
        %dma_wait3A = arith.constant 9600 : i32
        %dma_wait3A_31 = arith.constant 0 : i32
        %dma_wait3A_32 = tpu.memref_slice %arg5[%arg0, %dma_wait3A, %dma_wait3A_31] : memref<2x10000x128xf32, #tpu.memory_space<hbm>> -> memref<1x400x128xf32, #tpu.memory_space<hbm>>
        %dma_wait3A_33 = tpu.memref_squeeze %dma_wait3A_32 : memref<1x400x128xf32, #tpu.memory_space<hbm>> -> memref<400x128xf32, #tpu.memory_space<hbm>>
        %dma_wait3A_34 = arith.constant 9600 : i32
        %dma_wait3A_35 = arith.constant 0 : i32
        %dma_wait3A_36 = tpu.memref_slice %arg8[%dma_wait3A_34, %dma_wait3A_35] : memref<10000x128xf32, #tpu.memory_space<vmem_shared>> -> memref<400x128xf32, #tpu.memory_space<vmem_shared>>
        tpu.wait_dma2 semaphore(%run_scoped3A : memref<!tpu.dma_semaphore, #tpu.memory_space<semaphore_mem>>) src(%dma_wait3A_36 : memref<400x128xf32, #tpu.memory_space<vmem_shared>>) dst(%dma_wait3A_33 : memref<400x128xf32, #tpu.memory_space<hbm>>)
        tpu.yield
      }) : () -> ()
    } else {
    }
    return
  }
}

#map = affine_map<(d0, d1) -> (0, 0)>
#map1 = affine_map<(d0, d1) -> (0)>
#map2 = affine_map<(d0, d1) -> (0, 0, 0)>
module attributes {stable_mosaic.version = 14 : i64} {
  func.func @_scatter(%arg0: i32, %arg1: i32, %arg2: memref<320000x128xf32, #tpu.memory_space<hbm>>, %arg3: memref<320000xi32, #tpu.memory_space<hbm>>, %arg4: memref<10000x128xf32, #tpu.memory_space<hbm>>, %arg5: memref<2x10000x128xf32, #tpu.memory_space<hbm>>, %arg6: memref<80xi32, #tpu.memory_space<vmem>>, %arg7: memref<80x128xf32, #tpu.memory_space<vmem>>, %arg8: memref<10000x128xf32, #tpu.memory_space<vmem_shared>>) attributes {dimension_semantics = [#tpu.dimension_semantics<core_parallel>, #tpu.dimension_semantics<subcore_parallel>], iteration_bounds = array<i64: 2, 16>, scalar_prefetch = 0 : i64, scratch_operands = 3 : i64, tpu.core_type = #tpu.core_type<sc_vector_subcore>, window_params = [{transform_indices = #map}, {transform_indices = #map1}, {transform_indices = #map}, {transform_indices = #map2}]} {
    %lt3A = arith.constant 15 : i32
    %lt3A_0 = arith.cmpi slt, %arg1, %lt3A : i32
    %convert_element_type3A = arith.extui %lt3A_0 : i1 to i32
    %cond3A = arith.constant 0 : i32
    %cond3A_1 = arith.cmpi ne, %convert_element_type3A, %cond3A : i32
    scf.if %cond3A_1 {
      %mul3A_25 = arith.constant 640 : i32
      %mul3A_26 = arith.muli %arg1, %mul3A_25 : i32
      "tpu.region"() ({
        %run_scoped3A = tpu.sem_alloc : memref<!tpu.dma_semaphore, #tpu.memory_space<semaphore_mem>>
        %dma_start3A = arith.constant 0 : i32
        %dma_start3A_27 = tpu.memref_slice %arg8[%mul3A_26, %dma_start3A] : memref<10000x128xf32, #tpu.memory_space<vmem_shared>> -> memref<640x128xf32, #tpu.memory_space<vmem_shared>>
        %dma_start3A_28 = arith.constant 0 : i32
        %dma_start3A_29 = tpu.memref_slice %arg4[%mul3A_26, %dma_start3A_28] : memref<10000x128xf32, #tpu.memory_space<hbm>> -> memref<640x128xf32, #tpu.memory_space<hbm>>
        tpu.enqueue_dma source(%dma_start3A_29 : memref<640x128xf32, #tpu.memory_space<hbm>>) target(%dma_start3A_27 : memref<640x128xf32, #tpu.memory_space<vmem_shared>>) target_semaphore(%run_scoped3A : memref<!tpu.dma_semaphore, #tpu.memory_space<semaphore_mem>>)
        %dma_wait3A = arith.constant 0 : i32
        %dma_wait3A_30 = tpu.memref_slice %arg8[%mul3A_26, %dma_wait3A] : memref<10000x128xf32, #tpu.memory_space<vmem_shared>> -> memref<640x128xf32, #tpu.memory_space<vmem_shared>>
        %dma_wait3A_31 = arith.constant 0 : i32
        %dma_wait3A_32 = tpu.memref_slice %arg4[%mul3A_26, %dma_wait3A_31] : memref<10000x128xf32, #tpu.memory_space<hbm>> -> memref<640x128xf32, #tpu.memory_space<hbm>>
        tpu.wait_dma2 semaphore(%run_scoped3A : memref<!tpu.dma_semaphore, #tpu.memory_space<semaphore_mem>>) src(%dma_wait3A_32 : memref<640x128xf32, #tpu.memory_space<hbm>>) dst(%dma_wait3A_30 : memref<640x128xf32, #tpu.memory_space<vmem_shared>>)
        tpu.yield
      }) : () -> ()
    } else {
    }
    %eq3A = arith.constant 15 : i32
    %eq3A_2 = arith.cmpi eq, %arg1, %eq3A : i32
    %convert_element_type3A_3 = arith.extui %eq3A_2 : i1 to i32
    %cond3A_4 = arith.constant 0 : i32
    %cond3A_5 = arith.cmpi ne, %convert_element_type3A_3, %cond3A_4 : i32
    scf.if %cond3A_5 {
      "tpu.region"() ({
        %run_scoped3A = tpu.sem_alloc : memref<!tpu.dma_semaphore, #tpu.memory_space<semaphore_mem>>
        %dma_start3A = arith.constant 9600 : i32
        %dma_start3A_25 = arith.constant 0 : i32
        %dma_start3A_26 = tpu.memref_slice %arg8[%dma_start3A, %dma_start3A_25] : memref<10000x128xf32, #tpu.memory_space<vmem_shared>> -> memref<400x128xf32, #tpu.memory_space<vmem_shared>>
        %dma_start3A_27 = arith.constant 9600 : i32
        %dma_start3A_28 = arith.constant 0 : i32
        %dma_start3A_29 = tpu.memref_slice %arg4[%dma_start3A_27, %dma_start3A_28] : memref<10000x128xf32, #tpu.memory_space<hbm>> -> memref<400x128xf32, #tpu.memory_space<hbm>>
        tpu.enqueue_dma source(%dma_start3A_29 : memref<400x128xf32, #tpu.memory_space<hbm>>) target(%dma_start3A_26 : memref<400x128xf32, #tpu.memory_space<vmem_shared>>) target_semaphore(%run_scoped3A : memref<!tpu.dma_semaphore, #tpu.memory_space<semaphore_mem>>)
        %dma_wait3A = arith.constant 9600 : i32
        %dma_wait3A_30 = arith.constant 0 : i32
        %dma_wait3A_31 = tpu.memref_slice %arg8[%dma_wait3A, %dma_wait3A_30] : memref<10000x128xf32, #tpu.memory_space<vmem_shared>> -> memref<400x128xf32, #tpu.memory_space<vmem_shared>>
        %dma_wait3A_32 = arith.constant 9600 : i32
        %dma_wait3A_33 = arith.constant 0 : i32
        %dma_wait3A_34 = tpu.memref_slice %arg4[%dma_wait3A_32, %dma_wait3A_33] : memref<10000x128xf32, #tpu.memory_space<hbm>> -> memref<400x128xf32, #tpu.memory_space<hbm>>
        tpu.wait_dma2 semaphore(%run_scoped3A : memref<!tpu.dma_semaphore, #tpu.memory_space<semaphore_mem>>) src(%dma_wait3A_34 : memref<400x128xf32, #tpu.memory_space<hbm>>) dst(%dma_wait3A_31 : memref<400x128xf32, #tpu.memory_space<vmem_shared>>)
        tpu.yield
      }) : () -> ()
    } else {
    }
    %barrier3A = arith.constant 0 : index
    tpu.barrier barrier_id(%barrier3A)
    %mul3A = arith.constant 160000 : i32
    %mul3A_6 = arith.muli %arg0, %mul3A : i32
    %mul3A_7 = arith.constant 10000 : i32
    %mul3A_8 = arith.muli %arg1, %mul3A_7 : i32
    %add3A = arith.addi %mul3A_6, %mul3A_8 : i32
    %scan3A = arith.constant 0 : i32
    %scan3A_9 = arith.constant 0 : i32
    %scan3A_10 = arith.constant 125 : i32
    %scan3A_11 = arith.addi %scan3A_9, %scan3A_10 : i32
    %scan3A_12 = arith.constant 1 : i32
    scf.for %scan3A_25 = %scan3A_9 to %scan3A_11 step %scan3A_12  : i32 {
      %mul3A_26 = arith.constant 80 : i32
      %mul3A_27 = arith.muli %scan3A_25, %mul3A_26 : i32
      %add3A_28 = arith.addi %add3A, %mul3A_27 : i32
      "tpu.region"() ({
        %run_scoped3A = tpu.sem_alloc : memref<!tpu.dma_semaphore, #tpu.memory_space<semaphore_mem>>
        %dma_start3A = tpu.memref_slice %arg3[%add3A_28] : memref<320000xi32, #tpu.memory_space<hbm>> -> memref<80xi32, #tpu.memory_space<hbm>>
        %dma_start3A_29 = tpu.memref_slice %arg3[%add3A_28] : memref<320000xi32, #tpu.memory_space<hbm>> -> memref<80xi32, #tpu.memory_space<hbm>>
        tpu.enqueue_dma source(%dma_start3A_29 : memref<80xi32, #tpu.memory_space<hbm>>) target(%arg6 : memref<80xi32, #tpu.memory_space<vmem>>) target_semaphore(%run_scoped3A : memref<!tpu.dma_semaphore, #tpu.memory_space<semaphore_mem>>)
        %dma_wait3A = tpu.memref_slice %arg3[%add3A_28] : memref<320000xi32, #tpu.memory_space<hbm>> -> memref<80xi32, #tpu.memory_space<hbm>>
        %dma_wait3A_30 = tpu.memref_slice %arg3[%add3A_28] : memref<320000xi32, #tpu.memory_space<hbm>> -> memref<80xi32, #tpu.memory_space<hbm>>
        tpu.wait_dma2 semaphore(%run_scoped3A : memref<!tpu.dma_semaphore, #tpu.memory_space<semaphore_mem>>) src(%dma_wait3A_30 : memref<80xi32, #tpu.memory_space<hbm>>) dst(%arg6 : memref<80xi32, #tpu.memory_space<vmem>>)
        tpu.yield
      }) : () -> ()
      "tpu.region"() ({
        %run_scoped3A = tpu.sem_alloc : memref<!tpu.dma_semaphore, #tpu.memory_space<semaphore_mem>>
        %dma_start3A = arith.constant 0 : i32
        %dma_start3A_29 = tpu.memref_slice %arg2[%add3A_28, %dma_start3A] : memref<320000x128xf32, #tpu.memory_space<hbm>> -> memref<80x128xf32, #tpu.memory_space<hbm>>
        %dma_start3A_30 = arith.constant 0 : i32
        %dma_start3A_31 = tpu.memref_slice %arg2[%add3A_28, %dma_start3A_30] : memref<320000x128xf32, #tpu.memory_space<hbm>> -> memref<80x128xf32, #tpu.memory_space<hbm>>
        tpu.enqueue_dma source(%dma_start3A_31 : memref<80x128xf32, #tpu.memory_space<hbm>>) target(%arg7 : memref<80x128xf32, #tpu.memory_space<vmem>>) target_semaphore(%run_scoped3A : memref<!tpu.dma_semaphore, #tpu.memory_space<semaphore_mem>>)
        %dma_wait3A = arith.constant 0 : i32
        %dma_wait3A_32 = tpu.memref_slice %arg2[%add3A_28, %dma_wait3A] : memref<320000x128xf32, #tpu.memory_space<hbm>> -> memref<80x128xf32, #tpu.memory_space<hbm>>
        %dma_wait3A_33 = arith.constant 0 : i32
        %dma_wait3A_34 = tpu.memref_slice %arg2[%add3A_28, %dma_wait3A_33] : memref<320000x128xf32, #tpu.memory_space<hbm>> -> memref<80x128xf32, #tpu.memory_space<hbm>>
        tpu.wait_dma2 semaphore(%run_scoped3A : memref<!tpu.dma_semaphore, #tpu.memory_space<semaphore_mem>>) src(%dma_wait3A_34 : memref<80x128xf32, #tpu.memory_space<hbm>>) dst(%arg7 : memref<80x128xf32, #tpu.memory_space<vmem>>)
        tpu.yield
      }) : () -> ()
      "tpu.region"() ({
        %run_scoped3A = tpu.sem_alloc : memref<!tpu.dma_semaphore, #tpu.memory_space<semaphore_mem>>
        %dma_start3A = arith.constant 0 : i32
        %dma_start3A_29 = arith.constant 0 : i32
        %dma_start3A_30 = tpu.memref_slice %arg8[%dma_start3A, %dma_start3A_29] : memref<10000x128xf32, #tpu.memory_space<vmem_shared>> -> memref<10000x128xf32, #tpu.memory_space<vmem_shared>>
        tpu.enqueue_indirect_dma source(%arg7 : memref<80x128xf32, #tpu.memory_space<vmem>>) target(%dma_start3A_30 : memref<10000x128xf32, #tpu.memory_space<vmem_shared>>) offsets(%arg6 : memref<80xi32, #tpu.memory_space<vmem>>) semaphore(%run_scoped3A : memref<!tpu.dma_semaphore, #tpu.memory_space<semaphore_mem>>) {add = true}
        %dma_wait3A = arith.constant 0 : i32
        %dma_wait3A_31 = arith.constant 0 : i32
        %dma_wait3A_32 = tpu.memref_slice %arg8[%dma_wait3A, %dma_wait3A_31] : memref<10000x128xf32, #tpu.memory_space<vmem_shared>> -> memref<10000x128xf32, #tpu.memory_space<vmem_shared>>
        tpu.wait_indirect_dma semaphore(%run_scoped3A : memref<!tpu.dma_semaphore, #tpu.memory_space<semaphore_mem>>) src(%arg7 : memref<80x128xf32, #tpu.memory_space<vmem>>) dst(%dma_wait3A_32 : memref<10000x128xf32, #tpu.memory_space<vmem_shared>>)
        tpu.yield
      }) : () -> ()
    }
    %scan3A_13 = arith.constant 125 : i32
    %barrier3A_14 = arith.constant 0 : index
    tpu.barrier barrier_id(%barrier3A_14)
    %lt3A_15 = arith.constant 15 : i32
    %lt3A_16 = arith.cmpi slt, %arg1, %lt3A_15 : i32
    %convert_element_type3A_17 = arith.extui %lt3A_16 : i1 to i32
    %cond3A_18 = arith.constant 0 : i32
    %cond3A_19 = arith.cmpi ne, %convert_element_type3A_17, %cond3A_18 : i32
    scf.if %cond3A_19 {
      %mul3A_25 = arith.constant 640 : i32
      %mul3A_26 = arith.muli %arg1, %mul3A_25 : i32
      "tpu.region"() ({
        %run_scoped3A = tpu.sem_alloc : memref<!tpu.dma_semaphore, #tpu.memory_space<semaphore_mem>>
        %dma_start3A = arith.constant 0 : i32
        %dma_start3A_27 = tpu.memref_slice %arg5[%arg0, %mul3A_26, %dma_start3A] : memref<2x10000x128xf32, #tpu.memory_space<hbm>> -> memref<1x640x128xf32, #tpu.memory_space<hbm>>
        %dma_start3A_28 = tpu.memref_squeeze %dma_start3A_27 : memref<1x640x128xf32, #tpu.memory_space<hbm>> -> memref<640x128xf32, #tpu.memory_space<hbm>>
        %dma_start3A_29 = arith.constant 0 : i32
        %dma_start3A_30 = tpu.memref_slice %arg8[%mul3A_26, %dma_start3A_29] : memref<10000x128xf32, #tpu.memory_space<vmem_shared>> -> memref<640x128xf32, #tpu.memory_space<vmem_shared>>
        tpu.enqueue_dma source(%dma_start3A_30 : memref<640x128xf32, #tpu.memory_space<vmem_shared>>) target(%dma_start3A_28 : memref<640x128xf32, #tpu.memory_space<hbm>>) target_semaphore(%run_scoped3A : memref<!tpu.dma_semaphore, #tpu.memory_space<semaphore_mem>>)
        %dma_wait3A = arith.constant 0 : i32
        %dma_wait3A_31 = tpu.memref_slice %arg5[%arg0, %mul3A_26, %dma_wait3A] : memref<2x10000x128xf32, #tpu.memory_space<hbm>> -> memref<1x640x128xf32, #tpu.memory_space<hbm>>
        %dma_wait3A_32 = tpu.memref_squeeze %dma_wait3A_31 : memref<1x640x128xf32, #tpu.memory_space<hbm>> -> memref<640x128xf32, #tpu.memory_space<hbm>>
        %dma_wait3A_33 = arith.constant 0 : i32
        %dma_wait3A_34 = tpu.memref_slice %arg8[%mul3A_26, %dma_wait3A_33] : memref<10000x128xf32, #tpu.memory_space<vmem_shared>> -> memref<640x128xf32, #tpu.memory_space<vmem_shared>>
        tpu.wait_dma2 semaphore(%run_scoped3A : memref<!tpu.dma_semaphore, #tpu.memory_space<semaphore_mem>>) src(%dma_wait3A_34 : memref<640x128xf32, #tpu.memory_space<vmem_shared>>) dst(%dma_wait3A_32 : memref<640x128xf32, #tpu.memory_space<hbm>>)
        tpu.yield
      }) : () -> ()
    } else {
    }
    %eq3A_20 = arith.constant 15 : i32
    %eq3A_21 = arith.cmpi eq, %arg1, %eq3A_20 : i32
    %convert_element_type3A_22 = arith.extui %eq3A_21 : i1 to i32
    %cond3A_23 = arith.constant 0 : i32
    %cond3A_24 = arith.cmpi ne, %convert_element_type3A_22, %cond3A_23 : i32
    scf.if %cond3A_24 {
      "tpu.region"() ({
        %run_scoped3A = tpu.sem_alloc : memref<!tpu.dma_semaphore, #tpu.memory_space<semaphore_mem>>
        %dma_start3A = arith.constant 9600 : i32
        %dma_start3A_25 = arith.constant 0 : i32
        %dma_start3A_26 = tpu.memref_slice %arg5[%arg0, %dma_start3A, %dma_start3A_25] : memref<2x10000x128xf32, #tpu.memory_space<hbm>> -> memref<1x400x128xf32, #tpu.memory_space<hbm>>
        %dma_start3A_27 = tpu.memref_squeeze %dma_start3A_26 : memref<1x400x128xf32, #tpu.memory_space<hbm>> -> memref<400x128xf32, #tpu.memory_space<hbm>>
        %dma_start3A_28 = arith.constant 9600 : i32
        %dma_start3A_29 = arith.constant 0 : i32
        %dma_start3A_30 = tpu.memref_slice %arg8[%dma_start3A_28, %dma_start3A_29] : memref<10000x128xf32, #tpu.memory_space<vmem_shared>> -> memref<400x128xf32, #tpu.memory_space<vmem_shared>>
        tpu.enqueue_dma source(%dma_start3A_30 : memref<400x128xf32, #tpu.memory_space<vmem_shared>>) target(%dma_start3A_27 : memref<400x128xf32, #tpu.memory_space<hbm>>) target_semaphore(%run_scoped3A : memref<!tpu.dma_semaphore, #tpu.memory_space<semaphore_mem>>)
        %dma_wait3A = arith.constant 9600 : i32
        %dma_wait3A_31 = arith.constant 0 : i32
        %dma_wait3A_32 = tpu.memref_slice %arg5[%arg0, %dma_wait3A, %dma_wait3A_31] : memref<2x10000x128xf32, #tpu.memory_space<hbm>> -> memref<1x400x128xf32, #tpu.memory_space<hbm>>
        %dma_wait3A_33 = tpu.memref_squeeze %dma_wait3A_32 : memref<1x400x128xf32, #tpu.memory_space<hbm>> -> memref<400x128xf32, #tpu.memory_space<hbm>>
        %dma_wait3A_34 = arith.constant 9600 : i32
        %dma_wait3A_35 = arith.constant 0 : i32
        %dma_wait3A_36 = tpu.memref_slice %arg8[%dma_wait3A_34, %dma_wait3A_35] : memref<10000x128xf32, #tpu.memory_space<vmem_shared>> -> memref<400x128xf32, #tpu.memory_space<vmem_shared>>
        tpu.wait_dma2 semaphore(%run_scoped3A : memref<!tpu.dma_semaphore, #tpu.memory_space<semaphore_mem>>) src(%dma_wait3A_36 : memref<400x128xf32, #tpu.memory_space<vmem_shared>>) dst(%dma_wait3A_33 : memref<400x128xf32, #tpu.memory_space<hbm>>)
        tpu.yield
      }) : () -> ()
    } else {
    }
    return
  }
}

#map = affine_map<(d0, d1) -> (0, 0)>
#map1 = affine_map<(d0, d1) -> (0)>
module attributes {stable_mosaic.version = 14 : i64} {
  func.func @_stage_b(%arg0: i32, %arg1: i32, %arg2: memref<10000x128xf32, #tpu.memory_space<hbm>>, %arg3: memref<10000x128xf32, #tpu.memory_space<hbm>>, %arg4: memref<320000xi32, #tpu.memory_space<hbm>>, %arg5: memref<320000xi32, #tpu.memory_space<hbm>>, %arg6: memref<10000xf32, #tpu.memory_space<hbm>>, %arg7: memref<10000xf32, #tpu.memory_space<hbm>>, %arg8: memref<10000xf32, #tpu.memory_space<hbm>>, %arg9: memref<320000x128xf32, #tpu.memory_space<hbm>>, %arg10: memref<320000x128xf32, #tpu.memory_space<hbm>>, %arg11: memref<320000xf32, #tpu.memory_space<hbm>>, %arg12: memref<320000xf32, #tpu.memory_space<hbm>>, %arg13: memref<320000xf32, #tpu.memory_space<hbm>>, %arg14: memref<80xi32, #tpu.memory_space<vmem>>, %arg15: memref<80xi32, #tpu.memory_space<vmem>>, %arg16: memref<80x128xf32, #tpu.memory_space<vmem>>, %arg17: memref<80x128xf32, #tpu.memory_space<vmem>>, %arg18: memref<6x80xf32, #tpu.memory_space<vmem>>, %arg19: memref<80xf32, #tpu.memory_space<vmem>>, %arg20: memref<80xf32, #tpu.memory_space<vmem>>, %arg21: memref<80xf32, #tpu.memory_space<vmem>>, %arg22: memref<!tpu.dma_semaphore, #tpu.memory_space<semaphore_mem>>, %arg23: memref<!tpu.dma_semaphore, #tpu.memory_space<semaphore_mem>>) attributes {dimension_semantics = [#tpu.dimension_semantics<core_parallel>, #tpu.dimension_semantics<subcore_parallel>], iteration_bounds = array<i64: 2, 16>, scalar_prefetch = 0 : i64, scratch_operands = 10 : i64, tpu.core_type = #tpu.core_type<sc_vector_subcore>, window_params = [{transform_indices = #map}, {transform_indices = #map}, {transform_indices = #map1}, {transform_indices = #map1}, {transform_indices = #map1}, {transform_indices = #map1}, {transform_indices = #map1}, {transform_indices = #map}, {transform_indices = #map}, {transform_indices = #map1}, {transform_indices = #map1}, {transform_indices = #map1}]} {
    %mul3A = arith.constant 2 : i32
    %mul3A_0 = arith.muli %arg1, %mul3A : i32
    %add3A = arith.addi %mul3A_0, %arg0 : i32
    %mul3A_1 = arith.constant 10000 : i32
    %mul3A_2 = arith.muli %add3A, %mul3A_1 : i32
    %scan3A = arith.constant 0 : i32
    %scan3A_3 = arith.constant 0 : i32
    %scan3A_4 = arith.constant 125 : i32
    %scan3A_5 = arith.addi %scan3A_3, %scan3A_4 : i32
    %scan3A_6 = arith.constant 1 : i32
    scf.for %scan3A_8 = %scan3A_3 to %scan3A_5 step %scan3A_6  : i32 {
      %mul3A_9 = arith.constant 80 : i32
      %mul3A_10 = arith.muli %scan3A_8, %mul3A_9 : i32
      %add3A_11 = arith.addi %mul3A_2, %mul3A_10 : i32
      "tpu.region"() ({
        %run_scoped3A = tpu.sem_alloc : memref<!tpu.dma_semaphore, #tpu.memory_space<semaphore_mem>>
        %dma_start3A_625 = tpu.memref_slice %arg4[%add3A_11] : memref<320000xi32, #tpu.memory_space<hbm>> -> memref<80xi32, #tpu.memory_space<hbm>>
        %dma_start3A_626 = tpu.memref_slice %arg4[%add3A_11] : memref<320000xi32, #tpu.memory_space<hbm>> -> memref<80xi32, #tpu.memory_space<hbm>>
        tpu.enqueue_dma source(%dma_start3A_626 : memref<80xi32, #tpu.memory_space<hbm>>) target(%arg14 : memref<80xi32, #tpu.memory_space<vmem>>) target_semaphore(%run_scoped3A : memref<!tpu.dma_semaphore, #tpu.memory_space<semaphore_mem>>)
        %dma_wait3A_627 = tpu.memref_slice %arg4[%add3A_11] : memref<320000xi32, #tpu.memory_space<hbm>> -> memref<80xi32, #tpu.memory_space<hbm>>
        %dma_wait3A_628 = tpu.memref_slice %arg4[%add3A_11] : memref<320000xi32, #tpu.memory_space<hbm>> -> memref<80xi32, #tpu.memory_space<hbm>>
        tpu.wait_dma2 semaphore(%run_scoped3A : memref<!tpu.dma_semaphore, #tpu.memory_space<semaphore_mem>>) src(%dma_wait3A_628 : memref<80xi32, #tpu.memory_space<hbm>>) dst(%arg14 : memref<80xi32, #tpu.memory_space<vmem>>)
        tpu.yield
      }) : () -> ()
      "tpu.region"() ({
        %run_scoped3A = tpu.sem_alloc : memref<!tpu.dma_semaphore, #tpu.memory_space<semaphore_mem>>
        %dma_start3A_625 = tpu.memref_slice %arg5[%add3A_11] : memref<320000xi32, #tpu.memory_space<hbm>> -> memref<80xi32, #tpu.memory_space<hbm>>
        %dma_start3A_626 = tpu.memref_slice %arg5[%add3A_11] : memref<320000xi32, #tpu.memory_space<hbm>> -> memref<80xi32, #tpu.memory_space<hbm>>
        tpu.enqueue_dma source(%dma_start3A_626 : memref<80xi32, #tpu.memory_space<hbm>>) target(%arg15 : memref<80xi32, #tpu.memory_space<vmem>>) target_semaphore(%run_scoped3A : memref<!tpu.dma_semaphore, #tpu.memory_space<semaphore_mem>>)
        %dma_wait3A_627 = tpu.memref_slice %arg5[%add3A_11] : memref<320000xi32, #tpu.memory_space<hbm>> -> memref<80xi32, #tpu.memory_space<hbm>>
        %dma_wait3A_628 = tpu.memref_slice %arg5[%add3A_11] : memref<320000xi32, #tpu.memory_space<hbm>> -> memref<80xi32, #tpu.memory_space<hbm>>
        tpu.wait_dma2 semaphore(%run_scoped3A : memref<!tpu.dma_semaphore, #tpu.memory_space<semaphore_mem>>) src(%dma_wait3A_628 : memref<80xi32, #tpu.memory_space<hbm>>) dst(%arg15 : memref<80xi32, #tpu.memory_space<vmem>>)
        tpu.yield
      }) : () -> ()
      %dma_start3A = arith.constant 0 : i32
      %dma_start3A_12 = arith.constant 0 : i32
      %dma_start3A_13 = tpu.memref_slice %arg2[%dma_start3A, %dma_start3A_12] : memref<10000x128xf32, #tpu.memory_space<hbm>> -> memref<10000x128xf32, #tpu.memory_space<hbm>>
      tpu.enqueue_indirect_dma source(%dma_start3A_13 : memref<10000x128xf32, #tpu.memory_space<hbm>>) target(%arg16 : memref<80x128xf32, #tpu.memory_space<vmem>>) offsets(%arg14 : memref<80xi32, #tpu.memory_space<vmem>>) semaphore(%arg22 : memref<!tpu.dma_semaphore, #tpu.memory_space<semaphore_mem>>)
      %dma_start3A_14 = arith.constant 0 : i32
      %dma_start3A_15 = arith.constant 0 : i32
      %dma_start3A_16 = tpu.memref_slice %arg3[%dma_start3A_14, %dma_start3A_15] : memref<10000x128xf32, #tpu.memory_space<hbm>> -> memref<10000x128xf32, #tpu.memory_space<hbm>>
      tpu.enqueue_indirect_dma source(%dma_start3A_16 : memref<10000x128xf32, #tpu.memory_space<hbm>>) target(%arg17 : memref<80x128xf32, #tpu.memory_space<vmem>>) offsets(%arg15 : memref<80xi32, #tpu.memory_space<vmem>>) semaphore(%arg22 : memref<!tpu.dma_semaphore, #tpu.memory_space<semaphore_mem>>)
      %dma_start3A_17 = arith.constant 0 : i32
      %dma_start3A_18 = arith.constant 0 : i32
      %dma_start3A_19 = tpu.memref_slice %arg18[%dma_start3A_17, %dma_start3A_18] : memref<6x80xf32, #tpu.memory_space<vmem>> -> memref<1x80xf32, #tpu.memory_space<vmem>>
      %dma_start3A_20 = tpu.memref_squeeze %dma_start3A_19 : memref<1x80xf32, #tpu.memory_space<vmem>> -> memref<80xf32, #tpu.memory_space<vmem>>
      %dma_start3A_21 = arith.constant 0 : i32
      %dma_start3A_22 = tpu.memref_slice %arg6[%dma_start3A_21] : memref<10000xf32, #tpu.memory_space<hbm>> -> memref<10000xf32, #tpu.memory_space<hbm>>
      tpu.enqueue_indirect_dma source(%dma_start3A_22 : memref<10000xf32, #tpu.memory_space<hbm>>) target(%dma_start3A_20 : memref<80xf32, #tpu.memory_space<vmem>>) offsets(%arg14 : memref<80xi32, #tpu.memory_space<vmem>>) semaphore(%arg23 : memref<!tpu.dma_semaphore, #tpu.memory_space<semaphore_mem>>)
      %dma_start3A_23 = arith.constant 1 : i32
      %dma_start3A_24 = arith.constant 0 : i32
      %dma_start3A_25 = tpu.memref_slice %arg18[%dma_start3A_23, %dma_start3A_24] : memref<6x80xf32, #tpu.memory_space<vmem>> -> memref<1x80xf32, #tpu.memory_space<vmem>>
      %dma_start3A_26 = tpu.memref_squeeze %dma_start3A_25 : memref<1x80xf32, #tpu.memory_space<vmem>> -> memref<80xf32, #tpu.memory_space<vmem>>
      %dma_start3A_27 = arith.constant 0 : i32
      %dma_start3A_28 = tpu.memref_slice %arg7[%dma_start3A_27] : memref<10000xf32, #tpu.memory_space<hbm>> -> memref<10000xf32, #tpu.memory_space<hbm>>
      tpu.enqueue_indirect_dma source(%dma_start3A_28 : memref<10000xf32, #tpu.memory_space<hbm>>) target(%dma_start3A_26 : memref<80xf32, #tpu.memory_space<vmem>>) offsets(%arg14 : memref<80xi32, #tpu.memory_space<vmem>>) semaphore(%arg23 : memref<!tpu.dma_semaphore, #tpu.memory_space<semaphore_mem>>)
      %dma_start3A_29 = arith.constant 2 : i32
      %dma_start3A_30 = arith.constant 0 : i32
      %dma_start3A_31 = tpu.memref_slice %arg18[%dma_start3A_29, %dma_start3A_30] : memref<6x80xf32, #tpu.memory_space<vmem>> -> memref<1x80xf32, #tpu.memory_space<vmem>>
      %dma_start3A_32 = tpu.memref_squeeze %dma_start3A_31 : memref<1x80xf32, #tpu.memory_space<vmem>> -> memref<80xf32, #tpu.memory_space<vmem>>
      %dma_start3A_33 = arith.constant 0 : i32
      %dma_start3A_34 = tpu.memref_slice %arg8[%dma_start3A_33] : memref<10000xf32, #tpu.memory_space<hbm>> -> memref<10000xf32, #tpu.memory_space<hbm>>
      tpu.enqueue_indirect_dma source(%dma_start3A_34 : memref<10000xf32, #tpu.memory_space<hbm>>) target(%dma_start3A_32 : memref<80xf32, #tpu.memory_space<vmem>>) offsets(%arg14 : memref<80xi32, #tpu.memory_space<vmem>>) semaphore(%arg23 : memref<!tpu.dma_semaphore, #tpu.memory_space<semaphore_mem>>)
      %dma_start3A_35 = arith.constant 3 : i32
      %dma_start3A_36 = arith.constant 0 : i32
      %dma_start3A_37 = tpu.memref_slice %arg18[%dma_start3A_35, %dma_start3A_36] : memref<6x80xf32, #tpu.memory_space<vmem>> -> memref<1x80xf32, #tpu.memory_space<vmem>>
      %dma_start3A_38 = tpu.memref_squeeze %dma_start3A_37 : memref<1x80xf32, #tpu.memory_space<vmem>> -> memref<80xf32, #tpu.memory_space<vmem>>
      %dma_start3A_39 = arith.constant 0 : i32
      %dma_start3A_40 = tpu.memref_slice %arg6[%dma_start3A_39] : memref<10000xf32, #tpu.memory_space<hbm>> -> memref<10000xf32, #tpu.memory_space<hbm>>
      tpu.enqueue_indirect_dma source(%dma_start3A_40 : memref<10000xf32, #tpu.memory_space<hbm>>) target(%dma_start3A_38 : memref<80xf32, #tpu.memory_space<vmem>>) offsets(%arg15 : memref<80xi32, #tpu.memory_space<vmem>>) semaphore(%arg23 : memref<!tpu.dma_semaphore, #tpu.memory_space<semaphore_mem>>)
      %dma_start3A_41 = arith.constant 4 : i32
      %dma_start3A_42 = arith.constant 0 : i32
      %dma_start3A_43 = tpu.memref_slice %arg18[%dma_start3A_41, %dma_start3A_42] : memref<6x80xf32, #tpu.memory_space<vmem>> -> memref<1x80xf32, #tpu.memory_space<vmem>>
      %dma_start3A_44 = tpu.memref_squeeze %dma_start3A_43 : memref<1x80xf32, #tpu.memory_space<vmem>> -> memref<80xf32, #tpu.memory_space<vmem>>
      %dma_start3A_45 = arith.constant 0 : i32
      %dma_start3A_46 = tpu.memref_slice %arg7[%dma_start3A_45] : memref<10000xf32, #tpu.memory_space<hbm>> -> memref<10000xf32, #tpu.memory_space<hbm>>
      tpu.enqueue_indirect_dma source(%dma_start3A_46 : memref<10000xf32, #tpu.memory_space<hbm>>) target(%dma_start3A_44 : memref<80xf32, #tpu.memory_space<vmem>>) offsets(%arg15 : memref<80xi32, #tpu.memory_space<vmem>>) semaphore(%arg23 : memref<!tpu.dma_semaphore, #tpu.memory_space<semaphore_mem>>)
      %dma_start3A_47 = arith.constant 5 : i32
      %dma_start3A_48 = arith.constant 0 : i32
      %dma_start3A_49 = tpu.memref_slice %arg18[%dma_start3A_47, %dma_start3A_48] : memref<6x80xf32, #tpu.memory_space<vmem>> -> memref<1x80xf32, #tpu.memory_space<vmem>>
      %dma_start3A_50 = tpu.memref_squeeze %dma_start3A_49 : memref<1x80xf32, #tpu.memory_space<vmem>> -> memref<80xf32, #tpu.memory_space<vmem>>
      %dma_start3A_51 = arith.constant 0 : i32
      %dma_start3A_52 = tpu.memref_slice %arg8[%dma_start3A_51] : memref<10000xf32, #tpu.memory_space<hbm>> -> memref<10000xf32, #tpu.memory_space<hbm>>
      tpu.enqueue_indirect_dma source(%dma_start3A_52 : memref<10000xf32, #tpu.memory_space<hbm>>) target(%dma_start3A_50 : memref<80xf32, #tpu.memory_space<vmem>>) offsets(%arg15 : memref<80xi32, #tpu.memory_space<vmem>>) semaphore(%arg23 : memref<!tpu.dma_semaphore, #tpu.memory_space<semaphore_mem>>)
      %dma_wait3A = arith.constant 0 : i32
      %dma_wait3A_53 = arith.constant 0 : i32
      %dma_wait3A_54 = tpu.memref_slice %arg18[%dma_wait3A, %dma_wait3A_53] : memref<6x80xf32, #tpu.memory_space<vmem>> -> memref<1x80xf32, #tpu.memory_space<vmem>>
      %dma_wait3A_55 = tpu.memref_squeeze %dma_wait3A_54 : memref<1x80xf32, #tpu.memory_space<vmem>> -> memref<80xf32, #tpu.memory_space<vmem>>
      %dma_wait3A_56 = arith.constant 0 : i32
      %dma_wait3A_57 = tpu.memref_slice %arg6[%dma_wait3A_56] : memref<10000xf32, #tpu.memory_space<hbm>> -> memref<10000xf32, #tpu.memory_space<hbm>>
      tpu.wait_indirect_dma semaphore(%arg23 : memref<!tpu.dma_semaphore, #tpu.memory_space<semaphore_mem>>) src(%dma_wait3A_57 : memref<10000xf32, #tpu.memory_space<hbm>>) dst(%dma_wait3A_55 : memref<80xf32, #tpu.memory_space<vmem>>)
      %dma_wait3A_58 = arith.constant 1 : i32
      %dma_wait3A_59 = arith.constant 0 : i32
      %dma_wait3A_60 = tpu.memref_slice %arg18[%dma_wait3A_58, %dma_wait3A_59] : memref<6x80xf32, #tpu.memory_space<vmem>> -> memref<1x80xf32, #tpu.memory_space<vmem>>
      %dma_wait3A_61 = tpu.memref_squeeze %dma_wait3A_60 : memref<1x80xf32, #tpu.memory_space<vmem>> -> memref<80xf32, #tpu.memory_space<vmem>>
      %dma_wait3A_62 = arith.constant 0 : i32
      %dma_wait3A_63 = tpu.memref_slice %arg7[%dma_wait3A_62] : memref<10000xf32, #tpu.memory_space<hbm>> -> memref<10000xf32, #tpu.memory_space<hbm>>
      tpu.wait_indirect_dma semaphore(%arg23 : memref<!tpu.dma_semaphore, #tpu.memory_space<semaphore_mem>>) src(%dma_wait3A_63 : memref<10000xf32, #tpu.memory_space<hbm>>) dst(%dma_wait3A_61 : memref<80xf32, #tpu.memory_space<vmem>>)
      %dma_wait3A_64 = arith.constant 2 : i32
      %dma_wait3A_65 = arith.constant 0 : i32
      %dma_wait3A_66 = tpu.memref_slice %arg18[%dma_wait3A_64, %dma_wait3A_65] : memref<6x80xf32, #tpu.memory_space<vmem>> -> memref<1x80xf32, #tpu.memory_space<vmem>>
      %dma_wait3A_67 = tpu.memref_squeeze %dma_wait3A_66 : memref<1x80xf32, #tpu.memory_space<vmem>> -> memref<80xf32, #tpu.memory_space<vmem>>
      %dma_wait3A_68 = arith.constant 0 : i32
      %dma_wait3A_69 = tpu.memref_slice %arg8[%dma_wait3A_68] : memref<10000xf32, #tpu.memory_space<hbm>> -> memref<10000xf32, #tpu.memory_space<hbm>>
      tpu.wait_indirect_dma semaphore(%arg23 : memref<!tpu.dma_semaphore, #tpu.memory_space<semaphore_mem>>) src(%dma_wait3A_69 : memref<10000xf32, #tpu.memory_space<hbm>>) dst(%dma_wait3A_67 : memref<80xf32, #tpu.memory_space<vmem>>)
      %dma_wait3A_70 = arith.constant 3 : i32
      %dma_wait3A_71 = arith.constant 0 : i32
      %dma_wait3A_72 = tpu.memref_slice %arg18[%dma_wait3A_70, %dma_wait3A_71] : memref<6x80xf32, #tpu.memory_space<vmem>> -> memref<1x80xf32, #tpu.memory_space<vmem>>
      %dma_wait3A_73 = tpu.memref_squeeze %dma_wait3A_72 : memref<1x80xf32, #tpu.memory_space<vmem>> -> memref<80xf32, #tpu.memory_space<vmem>>
      %dma_wait3A_74 = arith.constant 0 : i32
      %dma_wait3A_75 = tpu.memref_slice %arg6[%dma_wait3A_74] : memref<10000xf32, #tpu.memory_space<hbm>> -> memref<10000xf32, #tpu.memory_space<hbm>>
      tpu.wait_indirect_dma semaphore(%arg23 : memref<!tpu.dma_semaphore, #tpu.memory_space<semaphore_mem>>) src(%dma_wait3A_75 : memref<10000xf32, #tpu.memory_space<hbm>>) dst(%dma_wait3A_73 : memref<80xf32, #tpu.memory_space<vmem>>)
      %dma_wait3A_76 = arith.constant 4 : i32
      %dma_wait3A_77 = arith.constant 0 : i32
      %dma_wait3A_78 = tpu.memref_slice %arg18[%dma_wait3A_76, %dma_wait3A_77] : memref<6x80xf32, #tpu.memory_space<vmem>> -> memref<1x80xf32, #tpu.memory_space<vmem>>
      %dma_wait3A_79 = tpu.memref_squeeze %dma_wait3A_78 : memref<1x80xf32, #tpu.memory_space<vmem>> -> memref<80xf32, #tpu.memory_space<vmem>>
      %dma_wait3A_80 = arith.constant 0 : i32
      %dma_wait3A_81 = tpu.memref_slice %arg7[%dma_wait3A_80] : memref<10000xf32, #tpu.memory_space<hbm>> -> memref<10000xf32, #tpu.memory_space<hbm>>
      tpu.wait_indirect_dma semaphore(%arg23 : memref<!tpu.dma_semaphore, #tpu.memory_space<semaphore_mem>>) src(%dma_wait3A_81 : memref<10000xf32, #tpu.memory_space<hbm>>) dst(%dma_wait3A_79 : memref<80xf32, #tpu.memory_space<vmem>>)
      %dma_wait3A_82 = arith.constant 5 : i32
      %dma_wait3A_83 = arith.constant 0 : i32
      %dma_wait3A_84 = tpu.memref_slice %arg18[%dma_wait3A_82, %dma_wait3A_83] : memref<6x80xf32, #tpu.memory_space<vmem>> -> memref<1x80xf32, #tpu.memory_space<vmem>>
      %dma_wait3A_85 = tpu.memref_squeeze %dma_wait3A_84 : memref<1x80xf32, #tpu.memory_space<vmem>> -> memref<80xf32, #tpu.memory_space<vmem>>
      %dma_wait3A_86 = arith.constant 0 : i32
      %dma_wait3A_87 = tpu.memref_slice %arg8[%dma_wait3A_86] : memref<10000xf32, #tpu.memory_space<hbm>> -> memref<10000xf32, #tpu.memory_space<hbm>>
      tpu.wait_indirect_dma semaphore(%arg23 : memref<!tpu.dma_semaphore, #tpu.memory_space<semaphore_mem>>) src(%dma_wait3A_87 : memref<10000xf32, #tpu.memory_space<hbm>>) dst(%dma_wait3A_85 : memref<80xf32, #tpu.memory_space<vmem>>)
      %get3A = arith.constant 0 : i32
      %get3A_88 = arith.index_cast %get3A : i32 to index
      %get3A_89 = arith.constant 0 : index
      %get3A_90 = tpu.vector_load %arg18[%get3A_88, %get3A_89] {strides = array<i32>} : memref<6x80xf32, #tpu.memory_space<vmem>>, vector<1x16xf32>,
      %get3A_91 = vector.shape_cast %get3A_90 : vector<1x16xf32> to vector<16xf32>
      %get3A_92 = arith.constant 3 : i32
      %get3A_93 = arith.index_cast %get3A_92 : i32 to index
      %get3A_94 = arith.constant 0 : index
      %get3A_95 = tpu.vector_load %arg18[%get3A_93, %get3A_94] {strides = array<i32>} : memref<6x80xf32, #tpu.memory_space<vmem>>, vector<1x16xf32>,
      %get3A_96 = vector.shape_cast %get3A_95 : vector<1x16xf32> to vector<16xf32>
      %sub3A = arith.subf %get3A_91, %get3A_96 : vector<16xf32>
      %abs3A = math.absf %sub3A : vector<16xf32>
      %gt3A = arith.constant 5.000000e-01 : f32
      %gt3A_97 = vector.broadcast %gt3A : f32 to vector<16xf32>
      %gt3A_98 = arith.cmpf ogt, %abs3A, %gt3A_97 : vector<16xf32>
      %sign3A = tpu.bitcast %sub3A : vector<16xf32> -> vector<16xi32>
      %sign3A_99 = arith.constant -2147483648 : i32
      %sign3A_100 = vector.broadcast %sign3A_99 : i32 to vector<16xi32>
      %sign3A_101 = arith.andi %sign3A, %sign3A_100 : vector<16xi32>
      %sign3A_102 = arith.constant 1065353216 : i32
      %sign3A_103 = vector.broadcast %sign3A_102 : i32 to vector<16xi32>
      %sign3A_104 = arith.ori %sign3A_103, %sign3A_101 : vector<16xi32>
      %sign3A_105 = tpu.bitcast %sign3A_104 : vector<16xi32> -> vector<16xf32>
      %sign3A_106 = math.absf %sub3A : vector<16xf32>
      %sign3A_107 = arith.constant 0.000000e+00 : f32
      %sign3A_108 = vector.broadcast %sign3A_107 : f32 to vector<16xf32>
      %sign3A_109 = arith.cmpf ogt, %sign3A_106, %sign3A_108 : vector<16xf32>
      %sign3A_110 = arith.select %sign3A_109, %sign3A_105, %sub3A : vector<16xi1>, vector<16xf32>
      %jit3A = arith.constant 0.000000e+00 : f32
      %broadcast_in_dim3A = vector.broadcast %jit3A : f32 to vector<16xf32>
      %select_n3A = arith.select %gt3A_98, %sign3A_110, %broadcast_in_dim3A : vector<16xi1>, vector<16xf32>
      %sub3A_111 = arith.subf %sub3A, %select_n3A : vector<16xf32>
      %swap3A = arith.constant 0 : index
      %swap3A_112 = tpu.vector_load %arg19[%swap3A] {strides = array<i32>} : memref<80xf32, #tpu.memory_space<vmem>>, vector<16xf32>,
      %swap3A_113 = vector.shape_cast %swap3A_112 : vector<16xf32> to vector<16xf32>
      %swap3A_114 = vector.shape_cast %sub3A_111 : vector<16xf32> to vector<16xf32>
      tpu.vector_store %arg19[%swap3A], %swap3A_114 {strides = array<i32>} : memref<80xf32, #tpu.memory_space<vmem>>, vector<16xf32>,
      %get3A_115 = arith.constant 1 : i32
      %get3A_116 = arith.index_cast %get3A_115 : i32 to index
      %get3A_117 = arith.constant 0 : index
      %get3A_118 = tpu.vector_load %arg18[%get3A_116, %get3A_117] {strides = array<i32>} : memref<6x80xf32, #tpu.memory_space<vmem>>, vector<1x16xf32>,
      %get3A_119 = vector.shape_cast %get3A_118 : vector<1x16xf32> to vector<16xf32>
      %get3A_120 = arith.constant 4 : i32
      %get3A_121 = arith.index_cast %get3A_120 : i32 to index
      %get3A_122 = arith.constant 0 : index
      %get3A_123 = tpu.vector_load %arg18[%get3A_121, %get3A_122] {strides = array<i32>} : memref<6x80xf32, #tpu.memory_space<vmem>>, vector<1x16xf32>,
      %get3A_124 = vector.shape_cast %get3A_123 : vector<1x16xf32> to vector<16xf32>
      %sub3A_125 = arith.subf %get3A_119, %get3A_124 : vector<16xf32>
      %abs3A_126 = math.absf %sub3A_125 : vector<16xf32>
      %gt3A_127 = arith.constant 5.000000e-01 : f32
      %gt3A_128 = vector.broadcast %gt3A_127 : f32 to vector<16xf32>
      %gt3A_129 = arith.cmpf ogt, %abs3A_126, %gt3A_128 : vector<16xf32>
      %sign3A_130 = tpu.bitcast %sub3A_125 : vector<16xf32> -> vector<16xi32>
      %sign3A_131 = arith.constant -2147483648 : i32
      %sign3A_132 = vector.broadcast %sign3A_131 : i32 to vector<16xi32>
      %sign3A_133 = arith.andi %sign3A_130, %sign3A_132 : vector<16xi32>
      %sign3A_134 = arith.constant 1065353216 : i32
      %sign3A_135 = vector.broadcast %sign3A_134 : i32 to vector<16xi32>
      %sign3A_136 = arith.ori %sign3A_135, %sign3A_133 : vector<16xi32>
      %sign3A_137 = tpu.bitcast %sign3A_136 : vector<16xi32> -> vector<16xf32>
      %sign3A_138 = math.absf %sub3A_125 : vector<16xf32>
      %sign3A_139 = arith.constant 0.000000e+00 : f32
      %sign3A_140 = vector.broadcast %sign3A_139 : f32 to vector<16xf32>
      %sign3A_141 = arith.cmpf ogt, %sign3A_138, %sign3A_140 : vector<16xf32>
      %sign3A_142 = arith.select %sign3A_141, %sign3A_137, %sub3A_125 : vector<16xi1>, vector<16xf32>
      %jit3A_143 = arith.constant 0.000000e+00 : f32
      %broadcast_in_dim3A_144 = vector.broadcast %jit3A_143 : f32 to vector<16xf32>
      %select_n3A_145 = arith.select %gt3A_129, %sign3A_142, %broadcast_in_dim3A_144 : vector<16xi1>, vector<16xf32>
      %sub3A_146 = arith.subf %sub3A_125, %select_n3A_145 : vector<16xf32>
      %swap3A_147 = arith.constant 0 : index
      %swap3A_148 = tpu.vector_load %arg20[%swap3A_147] {strides = array<i32>} : memref<80xf32, #tpu.memory_space<vmem>>, vector<16xf32>,
      %swap3A_149 = vector.shape_cast %swap3A_148 : vector<16xf32> to vector<16xf32>
      %swap3A_150 = vector.shape_cast %sub3A_146 : vector<16xf32> to vector<16xf32>
      tpu.vector_store %arg20[%swap3A_147], %swap3A_150 {strides = array<i32>} : memref<80xf32, #tpu.memory_space<vmem>>, vector<16xf32>,
      %get3A_151 = arith.constant 2 : i32
      %get3A_152 = arith.index_cast %get3A_151 : i32 to index
      %get3A_153 = arith.constant 0 : index
      %get3A_154 = tpu.vector_load %arg18[%get3A_152, %get3A_153] {strides = array<i32>} : memref<6x80xf32, #tpu.memory_space<vmem>>, vector<1x16xf32>,
      %get3A_155 = vector.shape_cast %get3A_154 : vector<1x16xf32> to vector<16xf32>
      %get3A_156 = arith.constant 5 : i32
      %get3A_157 = arith.index_cast %get3A_156 : i32 to index
      %get3A_158 = arith.constant 0 : index
      %get3A_159 = tpu.vector_load %arg18[%get3A_157, %get3A_158] {strides = array<i32>} : memref<6x80xf32, #tpu.memory_space<vmem>>, vector<1x16xf32>,
      %get3A_160 = vector.shape_cast %get3A_159 : vector<1x16xf32> to vector<16xf32>
      %sub3A_161 = arith.subf %get3A_155, %get3A_160 : vector<16xf32>
      %abs3A_162 = math.absf %sub3A_161 : vector<16xf32>
      %gt3A_163 = arith.constant 5.000000e-01 : f32
      %gt3A_164 = vector.broadcast %gt3A_163 : f32 to vector<16xf32>
      %gt3A_165 = arith.cmpf ogt, %abs3A_162, %gt3A_164 : vector<16xf32>
      %sign3A_166 = tpu.bitcast %sub3A_161 : vector<16xf32> -> vector<16xi32>
      %sign3A_167 = arith.constant -2147483648 : i32
      %sign3A_168 = vector.broadcast %sign3A_167 : i32 to vector<16xi32>
      %sign3A_169 = arith.andi %sign3A_166, %sign3A_168 : vector<16xi32>
      %sign3A_170 = arith.constant 1065353216 : i32
      %sign3A_171 = vector.broadcast %sign3A_170 : i32 to vector<16xi32>
      %sign3A_172 = arith.ori %sign3A_171, %sign3A_169 : vector<16xi32>
      %sign3A_173 = tpu.bitcast %sign3A_172 : vector<16xi32> -> vector<16xf32>
      %sign3A_174 = math.absf %sub3A_161 : vector<16xf32>
      %sign3A_175 = arith.constant 0.000000e+00 : f32
      %sign3A_176 = vector.broadcast %sign3A_175 : f32 to vector<16xf32>
      %sign3A_177 = arith.cmpf ogt, %sign3A_174, %sign3A_176 : vector<16xf32>
      %sign3A_178 = arith.select %sign3A_177, %sign3A_173, %sub3A_161 : vector<16xi1>, vector<16xf32>
      %jit3A_179 = arith.constant 0.000000e+00 : f32
      %broadcast_in_dim3A_180 = vector.broadcast %jit3A_179 : f32 to vector<16xf32>
      %select_n3A_181 = arith.select %gt3A_165, %sign3A_178, %broadcast_in_dim3A_180 : vector<16xi1>, vector<16xf32>
      %sub3A_182 = arith.subf %sub3A_161, %select_n3A_181 : vector<16xf32>
      %swap3A_183 = arith.constant 0 : index
      %swap3A_184 = tpu.vector_load %arg21[%swap3A_183] {strides = array<i32>} : memref<80xf32, #tpu.memory_space<vmem>>, vector<16xf32>,
      %swap3A_185 = vector.shape_cast %swap3A_184 : vector<16xf32> to vector<16xf32>
      %swap3A_186 = vector.shape_cast %sub3A_182 : vector<16xf32> to vector<16xf32>
      tpu.vector_store %arg21[%swap3A_183], %swap3A_186 {strides = array<i32>} : memref<80xf32, #tpu.memory_space<vmem>>, vector<16xf32>,
      %get3A_187 = arith.constant 0 : i32
      %get3A_188 = arith.index_cast %get3A_187 : i32 to index
      %get3A_189 = arith.constant 16 : index
      %get3A_190 = tpu.vector_load %arg18[%get3A_188, %get3A_189] {strides = array<i32>} : memref<6x80xf32, #tpu.memory_space<vmem>>, vector<1x16xf32>,
      %get3A_191 = vector.shape_cast %get3A_190 : vector<1x16xf32> to vector<16xf32>
      %get3A_192 = arith.constant 3 : i32
      %get3A_193 = arith.index_cast %get3A_192 : i32 to index
      %get3A_194 = arith.constant 16 : index
      %get3A_195 = tpu.vector_load %arg18[%get3A_193, %get3A_194] {strides = array<i32>} : memref<6x80xf32, #tpu.memory_space<vmem>>, vector<1x16xf32>,
      %get3A_196 = vector.shape_cast %get3A_195 : vector<1x16xf32> to vector<16xf32>
      %sub3A_197 = arith.subf %get3A_191, %get3A_196 : vector<16xf32>
      %abs3A_198 = math.absf %sub3A_197 : vector<16xf32>
      %gt3A_199 = arith.constant 5.000000e-01 : f32
      %gt3A_200 = vector.broadcast %gt3A_199 : f32 to vector<16xf32>
      %gt3A_201 = arith.cmpf ogt, %abs3A_198, %gt3A_200 : vector<16xf32>
      %sign3A_202 = tpu.bitcast %sub3A_197 : vector<16xf32> -> vector<16xi32>
      %sign3A_203 = arith.constant -2147483648 : i32
      %sign3A_204 = vector.broadcast %sign3A_203 : i32 to vector<16xi32>
      %sign3A_205 = arith.andi %sign3A_202, %sign3A_204 : vector<16xi32>
      %sign3A_206 = arith.constant 1065353216 : i32
      %sign3A_207 = vector.broadcast %sign3A_206 : i32 to vector<16xi32>
      %sign3A_208 = arith.ori %sign3A_207, %sign3A_205 : vector<16xi32>
      %sign3A_209 = tpu.bitcast %sign3A_208 : vector<16xi32> -> vector<16xf32>
      %sign3A_210 = math.absf %sub3A_197 : vector<16xf32>
      %sign3A_211 = arith.constant 0.000000e+00 : f32
      %sign3A_212 = vector.broadcast %sign3A_211 : f32 to vector<16xf32>
      %sign3A_213 = arith.cmpf ogt, %sign3A_210, %sign3A_212 : vector<16xf32>
      %sign3A_214 = arith.select %sign3A_213, %sign3A_209, %sub3A_197 : vector<16xi1>, vector<16xf32>
      %jit3A_215 = arith.constant 0.000000e+00 : f32
      %broadcast_in_dim3A_216 = vector.broadcast %jit3A_215 : f32 to vector<16xf32>
      %select_n3A_217 = arith.select %gt3A_201, %sign3A_214, %broadcast_in_dim3A_216 : vector<16xi1>, vector<16xf32>
      %sub3A_218 = arith.subf %sub3A_197, %select_n3A_217 : vector<16xf32>
      %swap3A_219 = arith.constant 16 : index
      %swap3A_220 = tpu.vector_load %arg19[%swap3A_219] {strides = array<i32>} : memref<80xf32, #tpu.memory_space<vmem>>, vector<16xf32>,
      %swap3A_221 = vector.shape_cast %swap3A_220 : vector<16xf32> to vector<16xf32>
      %swap3A_222 = vector.shape_cast %sub3A_218 : vector<16xf32> to vector<16xf32>
      tpu.vector_store %arg19[%swap3A_219], %swap3A_222 {strides = array<i32>} : memref<80xf32, #tpu.memory_space<vmem>>, vector<16xf32>,
      %get3A_223 = arith.constant 1 : i32
      %get3A_224 = arith.index_cast %get3A_223 : i32 to index
      %get3A_225 = arith.constant 16 : index
      %get3A_226 = tpu.vector_load %arg18[%get3A_224, %get3A_225] {strides = array<i32>} : memref<6x80xf32, #tpu.memory_space<vmem>>, vector<1x16xf32>,
      %get3A_227 = vector.shape_cast %get3A_226 : vector<1x16xf32> to vector<16xf32>
      %get3A_228 = arith.constant 4 : i32
      %get3A_229 = arith.index_cast %get3A_228 : i32 to index
      %get3A_230 = arith.constant 16 : index
      %get3A_231 = tpu.vector_load %arg18[%get3A_229, %get3A_230] {strides = array<i32>} : memref<6x80xf32, #tpu.memory_space<vmem>>, vector<1x16xf32>,
      %get3A_232 = vector.shape_cast %get3A_231 : vector<1x16xf32> to vector<16xf32>
      %sub3A_233 = arith.subf %get3A_227, %get3A_232 : vector<16xf32>
      %abs3A_234 = math.absf %sub3A_233 : vector<16xf32>
      %gt3A_235 = arith.constant 5.000000e-01 : f32
      %gt3A_236 = vector.broadcast %gt3A_235 : f32 to vector<16xf32>
      %gt3A_237 = arith.cmpf ogt, %abs3A_234, %gt3A_236 : vector<16xf32>
      %sign3A_238 = tpu.bitcast %sub3A_233 : vector<16xf32> -> vector<16xi32>
      %sign3A_239 = arith.constant -2147483648 : i32
      %sign3A_240 = vector.broadcast %sign3A_239 : i32 to vector<16xi32>
      %sign3A_241 = arith.andi %sign3A_238, %sign3A_240 : vector<16xi32>
      %sign3A_242 = arith.constant 1065353216 : i32
      %sign3A_243 = vector.broadcast %sign3A_242 : i32 to vector<16xi32>
      %sign3A_244 = arith.ori %sign3A_243, %sign3A_241 : vector<16xi32>
      %sign3A_245 = tpu.bitcast %sign3A_244 : vector<16xi32> -> vector<16xf32>
      %sign3A_246 = math.absf %sub3A_233 : vector<16xf32>
      %sign3A_247 = arith.constant 0.000000e+00 : f32
      %sign3A_248 = vector.broadcast %sign3A_247 : f32 to vector<16xf32>
      %sign3A_249 = arith.cmpf ogt, %sign3A_246, %sign3A_248 : vector<16xf32>
      %sign3A_250 = arith.select %sign3A_249, %sign3A_245, %sub3A_233 : vector<16xi1>, vector<16xf32>
      %jit3A_251 = arith.constant 0.000000e+00 : f32
      %broadcast_in_dim3A_252 = vector.broadcast %jit3A_251 : f32 to vector<16xf32>
      %select_n3A_253 = arith.select %gt3A_237, %sign3A_250, %broadcast_in_dim3A_252 : vector<16xi1>, vector<16xf32>
      %sub3A_254 = arith.subf %sub3A_233, %select_n3A_253 : vector<16xf32>
      %swap3A_255 = arith.constant 16 : index
      %swap3A_256 = tpu.vector_load %arg20[%swap3A_255] {strides = array<i32>} : memref<80xf32, #tpu.memory_space<vmem>>, vector<16xf32>,
      %swap3A_257 = vector.shape_cast %swap3A_256 : vector<16xf32> to vector<16xf32>
      %swap3A_258 = vector.shape_cast %sub3A_254 : vector<16xf32> to vector<16xf32>
      tpu.vector_store %arg20[%swap3A_255], %swap3A_258 {strides = array<i32>} : memref<80xf32, #tpu.memory_space<vmem>>, vector<16xf32>,
      %get3A_259 = arith.constant 2 : i32
      %get3A_260 = arith.index_cast %get3A_259 : i32 to index
      %get3A_261 = arith.constant 16 : index
      %get3A_262 = tpu.vector_load %arg18[%get3A_260, %get3A_261] {strides = array<i32>} : memref<6x80xf32, #tpu.memory_space<vmem>>, vector<1x16xf32>,
      %get3A_263 = vector.shape_cast %get3A_262 : vector<1x16xf32> to vector<16xf32>
      %get3A_264 = arith.constant 5 : i32
      %get3A_265 = arith.index_cast %get3A_264 : i32 to index
      %get3A_266 = arith.constant 16 : index
      %get3A_267 = tpu.vector_load %arg18[%get3A_265, %get3A_266] {strides = array<i32>} : memref<6x80xf32, #tpu.memory_space<vmem>>, vector<1x16xf32>,
      %get3A_268 = vector.shape_cast %get3A_267 : vector<1x16xf32> to vector<16xf32>
      %sub3A_269 = arith.subf %get3A_263, %get3A_268 : vector<16xf32>
      %abs3A_270 = math.absf %sub3A_269 : vector<16xf32>
      %gt3A_271 = arith.constant 5.000000e-01 : f32
      %gt3A_272 = vector.broadcast %gt3A_271 : f32 to vector<16xf32>
      %gt3A_273 = arith.cmpf ogt, %abs3A_270, %gt3A_272 : vector<16xf32>
      %sign3A_274 = tpu.bitcast %sub3A_269 : vector<16xf32> -> vector<16xi32>
      %sign3A_275 = arith.constant -2147483648 : i32
      %sign3A_276 = vector.broadcast %sign3A_275 : i32 to vector<16xi32>
      %sign3A_277 = arith.andi %sign3A_274, %sign3A_276 : vector<16xi32>
      %sign3A_278 = arith.constant 1065353216 : i32
      %sign3A_279 = vector.broadcast %sign3A_278 : i32 to vector<16xi32>
      %sign3A_280 = arith.ori %sign3A_279, %sign3A_277 : vector<16xi32>
      %sign3A_281 = tpu.bitcast %sign3A_280 : vector<16xi32> -> vector<16xf32>
      %sign3A_282 = math.absf %sub3A_269 : vector<16xf32>
      %sign3A_283 = arith.constant 0.000000e+00 : f32
      %sign3A_284 = vector.broadcast %sign3A_283 : f32 to vector<16xf32>
      %sign3A_285 = arith.cmpf ogt, %sign3A_282, %sign3A_284 : vector<16xf32>
      %sign3A_286 = arith.select %sign3A_285, %sign3A_281, %sub3A_269 : vector<16xi1>, vector<16xf32>
      %jit3A_287 = arith.constant 0.000000e+00 : f32
      %broadcast_in_dim3A_288 = vector.broadcast %jit3A_287 : f32 to vector<16xf32>
      %select_n3A_289 = arith.select %gt3A_273, %sign3A_286, %broadcast_in_dim3A_288 : vector<16xi1>, vector<16xf32>
      %sub3A_290 = arith.subf %sub3A_269, %select_n3A_289 : vector<16xf32>
      %swap3A_291 = arith.constant 16 : index
      %swap3A_292 = tpu.vector_load %arg21[%swap3A_291] {strides = array<i32>} : memref<80xf32, #tpu.memory_space<vmem>>, vector<16xf32>,
      %swap3A_293 = vector.shape_cast %swap3A_292 : vector<16xf32> to vector<16xf32>
      %swap3A_294 = vector.shape_cast %sub3A_290 : vector<16xf32> to vector<16xf32>
      tpu.vector_store %arg21[%swap3A_291], %swap3A_294 {strides = array<i32>} : memref<80xf32, #tpu.memory_space<vmem>>, vector<16xf32>,
      %get3A_295 = arith.constant 0 : i32
      %get3A_296 = arith.index_cast %get3A_295 : i32 to index
      %get3A_297 = arith.constant 32 : index
      %get3A_298 = tpu.vector_load %arg18[%get3A_296, %get3A_297] {strides = array<i32>} : memref<6x80xf32, #tpu.memory_space<vmem>>, vector<1x16xf32>,
      %get3A_299 = vector.shape_cast %get3A_298 : vector<1x16xf32> to vector<16xf32>
      %get3A_300 = arith.constant 3 : i32
      %get3A_301 = arith.index_cast %get3A_300 : i32 to index
      %get3A_302 = arith.constant 32 : index
      %get3A_303 = tpu.vector_load %arg18[%get3A_301, %get3A_302] {strides = array<i32>} : memref<6x80xf32, #tpu.memory_space<vmem>>, vector<1x16xf32>,
      %get3A_304 = vector.shape_cast %get3A_303 : vector<1x16xf32> to vector<16xf32>
      %sub3A_305 = arith.subf %get3A_299, %get3A_304 : vector<16xf32>
      %abs3A_306 = math.absf %sub3A_305 : vector<16xf32>
      %gt3A_307 = arith.constant 5.000000e-01 : f32
      %gt3A_308 = vector.broadcast %gt3A_307 : f32 to vector<16xf32>
      %gt3A_309 = arith.cmpf ogt, %abs3A_306, %gt3A_308 : vector<16xf32>
      %sign3A_310 = tpu.bitcast %sub3A_305 : vector<16xf32> -> vector<16xi32>
      %sign3A_311 = arith.constant -2147483648 : i32
      %sign3A_312 = vector.broadcast %sign3A_311 : i32 to vector<16xi32>
      %sign3A_313 = arith.andi %sign3A_310, %sign3A_312 : vector<16xi32>
      %sign3A_314 = arith.constant 1065353216 : i32
      %sign3A_315 = vector.broadcast %sign3A_314 : i32 to vector<16xi32>
      %sign3A_316 = arith.ori %sign3A_315, %sign3A_313 : vector<16xi32>
      %sign3A_317 = tpu.bitcast %sign3A_316 : vector<16xi32> -> vector<16xf32>
      %sign3A_318 = math.absf %sub3A_305 : vector<16xf32>
      %sign3A_319 = arith.constant 0.000000e+00 : f32
      %sign3A_320 = vector.broadcast %sign3A_319 : f32 to vector<16xf32>
      %sign3A_321 = arith.cmpf ogt, %sign3A_318, %sign3A_320 : vector<16xf32>
      %sign3A_322 = arith.select %sign3A_321, %sign3A_317, %sub3A_305 : vector<16xi1>, vector<16xf32>
      %jit3A_323 = arith.constant 0.000000e+00 : f32
      %broadcast_in_dim3A_324 = vector.broadcast %jit3A_323 : f32 to vector<16xf32>
      %select_n3A_325 = arith.select %gt3A_309, %sign3A_322, %broadcast_in_dim3A_324 : vector<16xi1>, vector<16xf32>
      %sub3A_326 = arith.subf %sub3A_305, %select_n3A_325 : vector<16xf32>
      %swap3A_327 = arith.constant 32 : index
      %swap3A_328 = tpu.vector_load %arg19[%swap3A_327] {strides = array<i32>} : memref<80xf32, #tpu.memory_space<vmem>>, vector<16xf32>,
      %swap3A_329 = vector.shape_cast %swap3A_328 : vector<16xf32> to vector<16xf32>
      %swap3A_330 = vector.shape_cast %sub3A_326 : vector<16xf32> to vector<16xf32>
      tpu.vector_store %arg19[%swap3A_327], %swap3A_330 {strides = array<i32>} : memref<80xf32, #tpu.memory_space<vmem>>, vector<16xf32>,
      %get3A_331 = arith.constant 1 : i32
      %get3A_332 = arith.index_cast %get3A_331 : i32 to index
      %get3A_333 = arith.constant 32 : index
      %get3A_334 = tpu.vector_load %arg18[%get3A_332, %get3A_333] {strides = array<i32>} : memref<6x80xf32, #tpu.memory_space<vmem>>, vector<1x16xf32>,
      %get3A_335 = vector.shape_cast %get3A_334 : vector<1x16xf32> to vector<16xf32>
      %get3A_336 = arith.constant 4 : i32
      %get3A_337 = arith.index_cast %get3A_336 : i32 to index
      %get3A_338 = arith.constant 32 : index
      %get3A_339 = tpu.vector_load %arg18[%get3A_337, %get3A_338] {strides = array<i32>} : memref<6x80xf32, #tpu.memory_space<vmem>>, vector<1x16xf32>,
      %get3A_340 = vector.shape_cast %get3A_339 : vector<1x16xf32> to vector<16xf32>
      %sub3A_341 = arith.subf %get3A_335, %get3A_340 : vector<16xf32>
      %abs3A_342 = math.absf %sub3A_341 : vector<16xf32>
      %gt3A_343 = arith.constant 5.000000e-01 : f32
      %gt3A_344 = vector.broadcast %gt3A_343 : f32 to vector<16xf32>
      %gt3A_345 = arith.cmpf ogt, %abs3A_342, %gt3A_344 : vector<16xf32>
      %sign3A_346 = tpu.bitcast %sub3A_341 : vector<16xf32> -> vector<16xi32>
      %sign3A_347 = arith.constant -2147483648 : i32
      %sign3A_348 = vector.broadcast %sign3A_347 : i32 to vector<16xi32>
      %sign3A_349 = arith.andi %sign3A_346, %sign3A_348 : vector<16xi32>
      %sign3A_350 = arith.constant 1065353216 : i32
      %sign3A_351 = vector.broadcast %sign3A_350 : i32 to vector<16xi32>
      %sign3A_352 = arith.ori %sign3A_351, %sign3A_349 : vector<16xi32>
      %sign3A_353 = tpu.bitcast %sign3A_352 : vector<16xi32> -> vector<16xf32>
      %sign3A_354 = math.absf %sub3A_341 : vector<16xf32>
      %sign3A_355 = arith.constant 0.000000e+00 : f32
      %sign3A_356 = vector.broadcast %sign3A_355 : f32 to vector<16xf32>
      %sign3A_357 = arith.cmpf ogt, %sign3A_354, %sign3A_356 : vector<16xf32>
      %sign3A_358 = arith.select %sign3A_357, %sign3A_353, %sub3A_341 : vector<16xi1>, vector<16xf32>
      %jit3A_359 = arith.constant 0.000000e+00 : f32
      %broadcast_in_dim3A_360 = vector.broadcast %jit3A_359 : f32 to vector<16xf32>
      %select_n3A_361 = arith.select %gt3A_345, %sign3A_358, %broadcast_in_dim3A_360 : vector<16xi1>, vector<16xf32>
      %sub3A_362 = arith.subf %sub3A_341, %select_n3A_361 : vector<16xf32>
      %swap3A_363 = arith.constant 32 : index
      %swap3A_364 = tpu.vector_load %arg20[%swap3A_363] {strides = array<i32>} : memref<80xf32, #tpu.memory_space<vmem>>, vector<16xf32>,
      %swap3A_365 = vector.shape_cast %swap3A_364 : vector<16xf32> to vector<16xf32>
      %swap3A_366 = vector.shape_cast %sub3A_362 : vector<16xf32> to vector<16xf32>
      tpu.vector_store %arg20[%swap3A_363], %swap3A_366 {strides = array<i32>} : memref<80xf32, #tpu.memory_space<vmem>>, vector<16xf32>,
      %get3A_367 = arith.constant 2 : i32
      %get3A_368 = arith.index_cast %get3A_367 : i32 to index
      %get3A_369 = arith.constant 32 : index
      %get3A_370 = tpu.vector_load %arg18[%get3A_368, %get3A_369] {strides = array<i32>} : memref<6x80xf32, #tpu.memory_space<vmem>>, vector<1x16xf32>,
      %get3A_371 = vector.shape_cast %get3A_370 : vector<1x16xf32> to vector<16xf32>
      %get3A_372 = arith.constant 5 : i32
      %get3A_373 = arith.index_cast %get3A_372 : i32 to index
      %get3A_374 = arith.constant 32 : index
      %get3A_375 = tpu.vector_load %arg18[%get3A_373, %get3A_374] {strides = array<i32>} : memref<6x80xf32, #tpu.memory_space<vmem>>, vector<1x16xf32>,
      %get3A_376 = vector.shape_cast %get3A_375 : vector<1x16xf32> to vector<16xf32>
      %sub3A_377 = arith.subf %get3A_371, %get3A_376 : vector<16xf32>
      %abs3A_378 = math.absf %sub3A_377 : vector<16xf32>
      %gt3A_379 = arith.constant 5.000000e-01 : f32
      %gt3A_380 = vector.broadcast %gt3A_379 : f32 to vector<16xf32>
      %gt3A_381 = arith.cmpf ogt, %abs3A_378, %gt3A_380 : vector<16xf32>
      %sign3A_382 = tpu.bitcast %sub3A_377 : vector<16xf32> -> vector<16xi32>
      %sign3A_383 = arith.constant -2147483648 : i32
      %sign3A_384 = vector.broadcast %sign3A_383 : i32 to vector<16xi32>
      %sign3A_385 = arith.andi %sign3A_382, %sign3A_384 : vector<16xi32>
      %sign3A_386 = arith.constant 1065353216 : i32
      %sign3A_387 = vector.broadcast %sign3A_386 : i32 to vector<16xi32>
      %sign3A_388 = arith.ori %sign3A_387, %sign3A_385 : vector<16xi32>
      %sign3A_389 = tpu.bitcast %sign3A_388 : vector<16xi32> -> vector<16xf32>
      %sign3A_390 = math.absf %sub3A_377 : vector<16xf32>
      %sign3A_391 = arith.constant 0.000000e+00 : f32
      %sign3A_392 = vector.broadcast %sign3A_391 : f32 to vector<16xf32>
      %sign3A_393 = arith.cmpf ogt, %sign3A_390, %sign3A_392 : vector<16xf32>
      %sign3A_394 = arith.select %sign3A_393, %sign3A_389, %sub3A_377 : vector<16xi1>, vector<16xf32>
      %jit3A_395 = arith.constant 0.000000e+00 : f32
      %broadcast_in_dim3A_396 = vector.broadcast %jit3A_395 : f32 to vector<16xf32>
      %select_n3A_397 = arith.select %gt3A_381, %sign3A_394, %broadcast_in_dim3A_396 : vector<16xi1>, vector<16xf32>
      %sub3A_398 = arith.subf %sub3A_377, %select_n3A_397 : vector<16xf32>
      %swap3A_399 = arith.constant 32 : index
      %swap3A_400 = tpu.vector_load %arg21[%swap3A_399] {strides = array<i32>} : memref<80xf32, #tpu.memory_space<vmem>>, vector<16xf32>,
      %swap3A_401 = vector.shape_cast %swap3A_400 : vector<16xf32> to vector<16xf32>
      %swap3A_402 = vector.shape_cast %sub3A_398 : vector<16xf32> to vector<16xf32>
      tpu.vector_store %arg21[%swap3A_399], %swap3A_402 {strides = array<i32>} : memref<80xf32, #tpu.memory_space<vmem>>, vector<16xf32>,
      %get3A_403 = arith.constant 0 : i32
      %get3A_404 = arith.index_cast %get3A_403 : i32 to index
      %get3A_405 = arith.constant 48 : index
      %get3A_406 = tpu.vector_load %arg18[%get3A_404, %get3A_405] {strides = array<i32>} : memref<6x80xf32, #tpu.memory_space<vmem>>, vector<1x16xf32>,
      %get3A_407 = vector.shape_cast %get3A_406 : vector<1x16xf32> to vector<16xf32>
      %get3A_408 = arith.constant 3 : i32
      %get3A_409 = arith.index_cast %get3A_408 : i32 to index
      %get3A_410 = arith.constant 48 : index
      %get3A_411 = tpu.vector_load %arg18[%get3A_409, %get3A_410] {strides = array<i32>} : memref<6x80xf32, #tpu.memory_space<vmem>>, vector<1x16xf32>,
      %get3A_412 = vector.shape_cast %get3A_411 : vector<1x16xf32> to vector<16xf32>
      %sub3A_413 = arith.subf %get3A_407, %get3A_412 : vector<16xf32>
      %abs3A_414 = math.absf %sub3A_413 : vector<16xf32>
      %gt3A_415 = arith.constant 5.000000e-01 : f32
      %gt3A_416 = vector.broadcast %gt3A_415 : f32 to vector<16xf32>
      %gt3A_417 = arith.cmpf ogt, %abs3A_414, %gt3A_416 : vector<16xf32>
      %sign3A_418 = tpu.bitcast %sub3A_413 : vector<16xf32> -> vector<16xi32>
      %sign3A_419 = arith.constant -2147483648 : i32
      %sign3A_420 = vector.broadcast %sign3A_419 : i32 to vector<16xi32>
      %sign3A_421 = arith.andi %sign3A_418, %sign3A_420 : vector<16xi32>
      %sign3A_422 = arith.constant 1065353216 : i32
      %sign3A_423 = vector.broadcast %sign3A_422 : i32 to vector<16xi32>
      %sign3A_424 = arith.ori %sign3A_423, %sign3A_421 : vector<16xi32>
      %sign3A_425 = tpu.bitcast %sign3A_424 : vector<16xi32> -> vector<16xf32>
      %sign3A_426 = math.absf %sub3A_413 : vector<16xf32>
      %sign3A_427 = arith.constant 0.000000e+00 : f32
      %sign3A_428 = vector.broadcast %sign3A_427 : f32 to vector<16xf32>
      %sign3A_429 = arith.cmpf ogt, %sign3A_426, %sign3A_428 : vector<16xf32>
      %sign3A_430 = arith.select %sign3A_429, %sign3A_425, %sub3A_413 : vector<16xi1>, vector<16xf32>
      %jit3A_431 = arith.constant 0.000000e+00 : f32
      %broadcast_in_dim3A_432 = vector.broadcast %jit3A_431 : f32 to vector<16xf32>
      %select_n3A_433 = arith.select %gt3A_417, %sign3A_430, %broadcast_in_dim3A_432 : vector<16xi1>, vector<16xf32>
      %sub3A_434 = arith.subf %sub3A_413, %select_n3A_433 : vector<16xf32>
      %swap3A_435 = arith.constant 48 : index
      %swap3A_436 = tpu.vector_load %arg19[%swap3A_435] {strides = array<i32>} : memref<80xf32, #tpu.memory_space<vmem>>, vector<16xf32>,
      %swap3A_437 = vector.shape_cast %swap3A_436 : vector<16xf32> to vector<16xf32>
      %swap3A_438 = vector.shape_cast %sub3A_434 : vector<16xf32> to vector<16xf32>
      tpu.vector_store %arg19[%swap3A_435], %swap3A_438 {strides = array<i32>} : memref<80xf32, #tpu.memory_space<vmem>>, vector<16xf32>,
      %get3A_439 = arith.constant 1 : i32
      %get3A_440 = arith.index_cast %get3A_439 : i32 to index
      %get3A_441 = arith.constant 48 : index
      %get3A_442 = tpu.vector_load %arg18[%get3A_440, %get3A_441] {strides = array<i32>} : memref<6x80xf32, #tpu.memory_space<vmem>>, vector<1x16xf32>,
      %get3A_443 = vector.shape_cast %get3A_442 : vector<1x16xf32> to vector<16xf32>
      %get3A_444 = arith.constant 4 : i32
      %get3A_445 = arith.index_cast %get3A_444 : i32 to index
      %get3A_446 = arith.constant 48 : index
      %get3A_447 = tpu.vector_load %arg18[%get3A_445, %get3A_446] {strides = array<i32>} : memref<6x80xf32, #tpu.memory_space<vmem>>, vector<1x16xf32>,
      %get3A_448 = vector.shape_cast %get3A_447 : vector<1x16xf32> to vector<16xf32>
      %sub3A_449 = arith.subf %get3A_443, %get3A_448 : vector<16xf32>
      %abs3A_450 = math.absf %sub3A_449 : vector<16xf32>
      %gt3A_451 = arith.constant 5.000000e-01 : f32
      %gt3A_452 = vector.broadcast %gt3A_451 : f32 to vector<16xf32>
      %gt3A_453 = arith.cmpf ogt, %abs3A_450, %gt3A_452 : vector<16xf32>
      %sign3A_454 = tpu.bitcast %sub3A_449 : vector<16xf32> -> vector<16xi32>
      %sign3A_455 = arith.constant -2147483648 : i32
      %sign3A_456 = vector.broadcast %sign3A_455 : i32 to vector<16xi32>
      %sign3A_457 = arith.andi %sign3A_454, %sign3A_456 : vector<16xi32>
      %sign3A_458 = arith.constant 1065353216 : i32
      %sign3A_459 = vector.broadcast %sign3A_458 : i32 to vector<16xi32>
      %sign3A_460 = arith.ori %sign3A_459, %sign3A_457 : vector<16xi32>
      %sign3A_461 = tpu.bitcast %sign3A_460 : vector<16xi32> -> vector<16xf32>
      %sign3A_462 = math.absf %sub3A_449 : vector<16xf32>
      %sign3A_463 = arith.constant 0.000000e+00 : f32
      %sign3A_464 = vector.broadcast %sign3A_463 : f32 to vector<16xf32>
      %sign3A_465 = arith.cmpf ogt, %sign3A_462, %sign3A_464 : vector<16xf32>
      %sign3A_466 = arith.select %sign3A_465, %sign3A_461, %sub3A_449 : vector<16xi1>, vector<16xf32>
      %jit3A_467 = arith.constant 0.000000e+00 : f32
      %broadcast_in_dim3A_468 = vector.broadcast %jit3A_467 : f32 to vector<16xf32>
      %select_n3A_469 = arith.select %gt3A_453, %sign3A_466, %broadcast_in_dim3A_468 : vector<16xi1>, vector<16xf32>
      %sub3A_470 = arith.subf %sub3A_449, %select_n3A_469 : vector<16xf32>
      %swap3A_471 = arith.constant 48 : index
      %swap3A_472 = tpu.vector_load %arg20[%swap3A_471] {strides = array<i32>} : memref<80xf32, #tpu.memory_space<vmem>>, vector<16xf32>,
      %swap3A_473 = vector.shape_cast %swap3A_472 : vector<16xf32> to vector<16xf32>
      %swap3A_474 = vector.shape_cast %sub3A_470 : vector<16xf32> to vector<16xf32>
      tpu.vector_store %arg20[%swap3A_471], %swap3A_474 {strides = array<i32>} : memref<80xf32, #tpu.memory_space<vmem>>, vector<16xf32>,
      %get3A_475 = arith.constant 2 : i32
      %get3A_476 = arith.index_cast %get3A_475 : i32 to index
      %get3A_477 = arith.constant 48 : index
      %get3A_478 = tpu.vector_load %arg18[%get3A_476, %get3A_477] {strides = array<i32>} : memref<6x80xf32, #tpu.memory_space<vmem>>, vector<1x16xf32>,
      %get3A_479 = vector.shape_cast %get3A_478 : vector<1x16xf32> to vector<16xf32>
      %get3A_480 = arith.constant 5 : i32
      %get3A_481 = arith.index_cast %get3A_480 : i32 to index
      %get3A_482 = arith.constant 48 : index
      %get3A_483 = tpu.vector_load %arg18[%get3A_481, %get3A_482] {strides = array<i32>} : memref<6x80xf32, #tpu.memory_space<vmem>>, vector<1x16xf32>,
      %get3A_484 = vector.shape_cast %get3A_483 : vector<1x16xf32> to vector<16xf32>
      %sub3A_485 = arith.subf %get3A_479, %get3A_484 : vector<16xf32>
      %abs3A_486 = math.absf %sub3A_485 : vector<16xf32>
      %gt3A_487 = arith.constant 5.000000e-01 : f32
      %gt3A_488 = vector.broadcast %gt3A_487 : f32 to vector<16xf32>
      %gt3A_489 = arith.cmpf ogt, %abs3A_486, %gt3A_488 : vector<16xf32>
      %sign3A_490 = tpu.bitcast %sub3A_485 : vector<16xf32> -> vector<16xi32>
      %sign3A_491 = arith.constant -2147483648 : i32
      %sign3A_492 = vector.broadcast %sign3A_491 : i32 to vector<16xi32>
      %sign3A_493 = arith.andi %sign3A_490, %sign3A_492 : vector<16xi32>
      %sign3A_494 = arith.constant 1065353216 : i32
      %sign3A_495 = vector.broadcast %sign3A_494 : i32 to vector<16xi32>
      %sign3A_496 = arith.ori %sign3A_495, %sign3A_493 : vector<16xi32>
      %sign3A_497 = tpu.bitcast %sign3A_496 : vector<16xi32> -> vector<16xf32>
      %sign3A_498 = math.absf %sub3A_485 : vector<16xf32>
      %sign3A_499 = arith.constant 0.000000e+00 : f32
      %sign3A_500 = vector.broadcast %sign3A_499 : f32 to vector<16xf32>
      %sign3A_501 = arith.cmpf ogt, %sign3A_498, %sign3A_500 : vector<16xf32>
      %sign3A_502 = arith.select %sign3A_501, %sign3A_497, %sub3A_485 : vector<16xi1>, vector<16xf32>
      %jit3A_503 = arith.constant 0.000000e+00 : f32
      %broadcast_in_dim3A_504 = vector.broadcast %jit3A_503 : f32 to vector<16xf32>
      %select_n3A_505 = arith.select %gt3A_489, %sign3A_502, %broadcast_in_dim3A_504 : vector<16xi1>, vector<16xf32>
      %sub3A_506 = arith.subf %sub3A_485, %select_n3A_505 : vector<16xf32>
      %swap3A_507 = arith.constant 48 : index
      %swap3A_508 = tpu.vector_load %arg21[%swap3A_507] {strides = array<i32>} : memref<80xf32, #tpu.memory_space<vmem>>, vector<16xf32>,
      %swap3A_509 = vector.shape_cast %swap3A_508 : vector<16xf32> to vector<16xf32>
      %swap3A_510 = vector.shape_cast %sub3A_506 : vector<16xf32> to vector<16xf32>
      tpu.vector_store %arg21[%swap3A_507], %swap3A_510 {strides = array<i32>} : memref<80xf32, #tpu.memory_space<vmem>>, vector<16xf32>,
      %get3A_511 = arith.constant 0 : i32
      %get3A_512 = arith.index_cast %get3A_511 : i32 to index
      %get3A_513 = arith.constant 64 : index
      %get3A_514 = tpu.vector_load %arg18[%get3A_512, %get3A_513] {strides = array<i32>} : memref<6x80xf32, #tpu.memory_space<vmem>>, vector<1x16xf32>,
      %get3A_515 = vector.shape_cast %get3A_514 : vector<1x16xf32> to vector<16xf32>
      %get3A_516 = arith.constant 3 : i32
      %get3A_517 = arith.index_cast %get3A_516 : i32 to index
      %get3A_518 = arith.constant 64 : index
      %get3A_519 = tpu.vector_load %arg18[%get3A_517, %get3A_518] {strides = array<i32>} : memref<6x80xf32, #tpu.memory_space<vmem>>, vector<1x16xf32>,
      %get3A_520 = vector.shape_cast %get3A_519 : vector<1x16xf32> to vector<16xf32>
      %sub3A_521 = arith.subf %get3A_515, %get3A_520 : vector<16xf32>
      %abs3A_522 = math.absf %sub3A_521 : vector<16xf32>
      %gt3A_523 = arith.constant 5.000000e-01 : f32
      %gt3A_524 = vector.broadcast %gt3A_523 : f32 to vector<16xf32>
      %gt3A_525 = arith.cmpf ogt, %abs3A_522, %gt3A_524 : vector<16xf32>
      %sign3A_526 = tpu.bitcast %sub3A_521 : vector<16xf32> -> vector<16xi32>
      %sign3A_527 = arith.constant -2147483648 : i32
      %sign3A_528 = vector.broadcast %sign3A_527 : i32 to vector<16xi32>
      %sign3A_529 = arith.andi %sign3A_526, %sign3A_528 : vector<16xi32>
      %sign3A_530 = arith.constant 1065353216 : i32
      %sign3A_531 = vector.broadcast %sign3A_530 : i32 to vector<16xi32>
      %sign3A_532 = arith.ori %sign3A_531, %sign3A_529 : vector<16xi32>
      %sign3A_533 = tpu.bitcast %sign3A_532 : vector<16xi32> -> vector<16xf32>
      %sign3A_534 = math.absf %sub3A_521 : vector<16xf32>
      %sign3A_535 = arith.constant 0.000000e+00 : f32
      %sign3A_536 = vector.broadcast %sign3A_535 : f32 to vector<16xf32>
      %sign3A_537 = arith.cmpf ogt, %sign3A_534, %sign3A_536 : vector<16xf32>
      %sign3A_538 = arith.select %sign3A_537, %sign3A_533, %sub3A_521 : vector<16xi1>, vector<16xf32>
      %jit3A_539 = arith.constant 0.000000e+00 : f32
      %broadcast_in_dim3A_540 = vector.broadcast %jit3A_539 : f32 to vector<16xf32>
      %select_n3A_541 = arith.select %gt3A_525, %sign3A_538, %broadcast_in_dim3A_540 : vector<16xi1>, vector<16xf32>
      %sub3A_542 = arith.subf %sub3A_521, %select_n3A_541 : vector<16xf32>
      %swap3A_543 = arith.constant 64 : index
      %swap3A_544 = tpu.vector_load %arg19[%swap3A_543] {strides = array<i32>} : memref<80xf32, #tpu.memory_space<vmem>>, vector<16xf32>,
      %swap3A_545 = vector.shape_cast %swap3A_544 : vector<16xf32> to vector<16xf32>
      %swap3A_546 = vector.shape_cast %sub3A_542 : vector<16xf32> to vector<16xf32>
      tpu.vector_store %arg19[%swap3A_543], %swap3A_546 {strides = array<i32>} : memref<80xf32, #tpu.memory_space<vmem>>, vector<16xf32>,
      %get3A_547 = arith.constant 1 : i32
      %get3A_548 = arith.index_cast %get3A_547 : i32 to index
      %get3A_549 = arith.constant 64 : index
      %get3A_550 = tpu.vector_load %arg18[%get3A_548, %get3A_549] {strides = array<i32>} : memref<6x80xf32, #tpu.memory_space<vmem>>, vector<1x16xf32>,
      %get3A_551 = vector.shape_cast %get3A_550 : vector<1x16xf32> to vector<16xf32>
      %get3A_552 = arith.constant 4 : i32
      %get3A_553 = arith.index_cast %get3A_552 : i32 to index
      %get3A_554 = arith.constant 64 : index
      %get3A_555 = tpu.vector_load %arg18[%get3A_553, %get3A_554] {strides = array<i32>} : memref<6x80xf32, #tpu.memory_space<vmem>>, vector<1x16xf32>,
      %get3A_556 = vector.shape_cast %get3A_555 : vector<1x16xf32> to vector<16xf32>
      %sub3A_557 = arith.subf %get3A_551, %get3A_556 : vector<16xf32>
      %abs3A_558 = math.absf %sub3A_557 : vector<16xf32>
      %gt3A_559 = arith.constant 5.000000e-01 : f32
      %gt3A_560 = vector.broadcast %gt3A_559 : f32 to vector<16xf32>
      %gt3A_561 = arith.cmpf ogt, %abs3A_558, %gt3A_560 : vector<16xf32>
      %sign3A_562 = tpu.bitcast %sub3A_557 : vector<16xf32> -> vector<16xi32>
      %sign3A_563 = arith.constant -2147483648 : i32
      %sign3A_564 = vector.broadcast %sign3A_563 : i32 to vector<16xi32>
      %sign3A_565 = arith.andi %sign3A_562, %sign3A_564 : vector<16xi32>
      %sign3A_566 = arith.constant 1065353216 : i32
      %sign3A_567 = vector.broadcast %sign3A_566 : i32 to vector<16xi32>
      %sign3A_568 = arith.ori %sign3A_567, %sign3A_565 : vector<16xi32>
      %sign3A_569 = tpu.bitcast %sign3A_568 : vector<16xi32> -> vector<16xf32>
      %sign3A_570 = math.absf %sub3A_557 : vector<16xf32>
      %sign3A_571 = arith.constant 0.000000e+00 : f32
      %sign3A_572 = vector.broadcast %sign3A_571 : f32 to vector<16xf32>
      %sign3A_573 = arith.cmpf ogt, %sign3A_570, %sign3A_572 : vector<16xf32>
      %sign3A_574 = arith.select %sign3A_573, %sign3A_569, %sub3A_557 : vector<16xi1>, vector<16xf32>
      %jit3A_575 = arith.constant 0.000000e+00 : f32
      %broadcast_in_dim3A_576 = vector.broadcast %jit3A_575 : f32 to vector<16xf32>
      %select_n3A_577 = arith.select %gt3A_561, %sign3A_574, %broadcast_in_dim3A_576 : vector<16xi1>, vector<16xf32>
      %sub3A_578 = arith.subf %sub3A_557, %select_n3A_577 : vector<16xf32>
      %swap3A_579 = arith.constant 64 : index
      %swap3A_580 = tpu.vector_load %arg20[%swap3A_579] {strides = array<i32>} : memref<80xf32, #tpu.memory_space<vmem>>, vector<16xf32>,
      %swap3A_581 = vector.shape_cast %swap3A_580 : vector<16xf32> to vector<16xf32>
      %swap3A_582 = vector.shape_cast %sub3A_578 : vector<16xf32> to vector<16xf32>
      tpu.vector_store %arg20[%swap3A_579], %swap3A_582 {strides = array<i32>} : memref<80xf32, #tpu.memory_space<vmem>>, vector<16xf32>,
      %get3A_583 = arith.constant 2 : i32
      %get3A_584 = arith.index_cast %get3A_583 : i32 to index
      %get3A_585 = arith.constant 64 : index
      %get3A_586 = tpu.vector_load %arg18[%get3A_584, %get3A_585] {strides = array<i32>} : memref<6x80xf32, #tpu.memory_space<vmem>>, vector<1x16xf32>,
      %get3A_587 = vector.shape_cast %get3A_586 : vector<1x16xf32> to vector<16xf32>
      %get3A_588 = arith.constant 5 : i32
      %get3A_589 = arith.index_cast %get3A_588 : i32 to index
      %get3A_590 = arith.constant 64 : index
      %get3A_591 = tpu.vector_load %arg18[%get3A_589, %get3A_590] {strides = array<i32>} : memref<6x80xf32, #tpu.memory_space<vmem>>, vector<1x16xf32>,
      %get3A_592 = vector.shape_cast %get3A_591 : vector<1x16xf32> to vector<16xf32>
      %sub3A_593 = arith.subf %get3A_587, %get3A_592 : vector<16xf32>
      %abs3A_594 = math.absf %sub3A_593 : vector<16xf32>
      %gt3A_595 = arith.constant 5.000000e-01 : f32
      %gt3A_596 = vector.broadcast %gt3A_595 : f32 to vector<16xf32>
      %gt3A_597 = arith.cmpf ogt, %abs3A_594, %gt3A_596 : vector<16xf32>
      %sign3A_598 = tpu.bitcast %sub3A_593 : vector<16xf32> -> vector<16xi32>
      %sign3A_599 = arith.constant -2147483648 : i32
      %sign3A_600 = vector.broadcast %sign3A_599 : i32 to vector<16xi32>
      %sign3A_601 = arith.andi %sign3A_598, %sign3A_600 : vector<16xi32>
      %sign3A_602 = arith.constant 1065353216 : i32
      %sign3A_603 = vector.broadcast %sign3A_602 : i32 to vector<16xi32>
      %sign3A_604 = arith.ori %sign3A_603, %sign3A_601 : vector<16xi32>
      %sign3A_605 = tpu.bitcast %sign3A_604 : vector<16xi32> -> vector<16xf32>
      %sign3A_606 = math.absf %sub3A_593 : vector<16xf32>
      %sign3A_607 = arith.constant 0.000000e+00 : f32
      %sign3A_608 = vector.broadcast %sign3A_607 : f32 to vector<16xf32>
      %sign3A_609 = arith.cmpf ogt, %sign3A_606, %sign3A_608 : vector<16xf32>
      %sign3A_610 = arith.select %sign3A_609, %sign3A_605, %sub3A_593 : vector<16xi1>, vector<16xf32>
      %jit3A_611 = arith.constant 0.000000e+00 : f32
      %broadcast_in_dim3A_612 = vector.broadcast %jit3A_611 : f32 to vector<16xf32>
      %select_n3A_613 = arith.select %gt3A_597, %sign3A_610, %broadcast_in_dim3A_612 : vector<16xi1>, vector<16xf32>
      %sub3A_614 = arith.subf %sub3A_593, %select_n3A_613 : vector<16xf32>
      %swap3A_615 = arith.constant 64 : index
      %swap3A_616 = tpu.vector_load %arg21[%swap3A_615] {strides = array<i32>} : memref<80xf32, #tpu.memory_space<vmem>>, vector<16xf32>,
      %swap3A_617 = vector.shape_cast %swap3A_616 : vector<16xf32> to vector<16xf32>
      %swap3A_618 = vector.shape_cast %sub3A_614 : vector<16xf32> to vector<16xf32>
      tpu.vector_store %arg21[%swap3A_615], %swap3A_618 {strides = array<i32>} : memref<80xf32, #tpu.memory_space<vmem>>, vector<16xf32>,
      %dma_wait3A_619 = arith.constant 0 : i32
      %dma_wait3A_620 = arith.constant 0 : i32
      %dma_wait3A_621 = tpu.memref_slice %arg2[%dma_wait3A_619, %dma_wait3A_620] : memref<10000x128xf32, #tpu.memory_space<hbm>> -> memref<10000x128xf32, #tpu.memory_space<hbm>>
      tpu.wait_indirect_dma semaphore(%arg22 : memref<!tpu.dma_semaphore, #tpu.memory_space<semaphore_mem>>) src(%dma_wait3A_621 : memref<10000x128xf32, #tpu.memory_space<hbm>>) dst(%arg16 : memref<80x128xf32, #tpu.memory_space<vmem>>)
      %dma_wait3A_622 = arith.constant 0 : i32
      %dma_wait3A_623 = arith.constant 0 : i32
      %dma_wait3A_624 = tpu.memref_slice %arg3[%dma_wait3A_622, %dma_wait3A_623] : memref<10000x128xf32, #tpu.memory_space<hbm>> -> memref<10000x128xf32, #tpu.memory_space<hbm>>
      tpu.wait_indirect_dma semaphore(%arg22 : memref<!tpu.dma_semaphore, #tpu.memory_space<semaphore_mem>>) src(%dma_wait3A_624 : memref<10000x128xf32, #tpu.memory_space<hbm>>) dst(%arg17 : memref<80x128xf32, #tpu.memory_space<vmem>>)
      "tpu.region"() ({
        %run_scoped3A = tpu.sem_alloc : memref<!tpu.dma_semaphore, #tpu.memory_space<semaphore_mem>>
        %dma_start3A_625 = arith.constant 0 : i32
        %dma_start3A_626 = tpu.memref_slice %arg9[%add3A_11, %dma_start3A_625] : memref<320000x128xf32, #tpu.memory_space<hbm>> -> memref<80x128xf32, #tpu.memory_space<hbm>>
        %dma_start3A_627 = arith.constant 0 : i32
        %dma_start3A_628 = tpu.memref_slice %arg9[%add3A_11, %dma_start3A_627] : memref<320000x128xf32, #tpu.memory_space<hbm>> -> memref<80x128xf32, #tpu.memory_space<hbm>>
        tpu.enqueue_dma source(%arg16 : memref<80x128xf32, #tpu.memory_space<vmem>>) target(%dma_start3A_628 : memref<80x128xf32, #tpu.memory_space<hbm>>) target_semaphore(%run_scoped3A : memref<!tpu.dma_semaphore, #tpu.memory_space<semaphore_mem>>)
        %dma_wait3A_629 = arith.constant 0 : i32
        %dma_wait3A_630 = tpu.memref_slice %arg9[%add3A_11, %dma_wait3A_629] : memref<320000x128xf32, #tpu.memory_space<hbm>> -> memref<80x128xf32, #tpu.memory_space<hbm>>
        %dma_wait3A_631 = arith.constant 0 : i32
        %dma_wait3A_632 = tpu.memref_slice %arg9[%add3A_11, %dma_wait3A_631] : memref<320000x128xf32, #tpu.memory_space<hbm>> -> memref<80x128xf32, #tpu.memory_space<hbm>>
        tpu.wait_dma2 semaphore(%run_scoped3A : memref<!tpu.dma_semaphore, #tpu.memory_space<semaphore_mem>>) src(%arg16 : memref<80x128xf32, #tpu.memory_space<vmem>>) dst(%dma_wait3A_632 : memref<80x128xf32, #tpu.memory_space<hbm>>)
        tpu.yield
      }) : () -> ()
      "tpu.region"() ({
        %run_scoped3A = tpu.sem_alloc : memref<!tpu.dma_semaphore, #tpu.memory_space<semaphore_mem>>
        %dma_start3A_625 = arith.constant 0 : i32
        %dma_start3A_626 = tpu.memref_slice %arg10[%add3A_11, %dma_start3A_625] : memref<320000x128xf32, #tpu.memory_space<hbm>> -> memref<80x128xf32, #tpu.memory_space<hbm>>
        %dma_start3A_627 = arith.constant 0 : i32
        %dma_start3A_628 = tpu.memref_slice %arg10[%add3A_11, %dma_start3A_627] : memref<320000x128xf32, #tpu.memory_space<hbm>> -> memref<80x128xf32, #tpu.memory_space<hbm>>
        tpu.enqueue_dma source(%arg17 : memref<80x128xf32, #tpu.memory_space<vmem>>) target(%dma_start3A_628 : memref<80x128xf32, #tpu.memory_space<hbm>>) target_semaphore(%run_scoped3A : memref<!tpu.dma_semaphore, #tpu.memory_space<semaphore_mem>>)
        %dma_wait3A_629 = arith.constant 0 : i32
        %dma_wait3A_630 = tpu.memref_slice %arg10[%add3A_11, %dma_wait3A_629] : memref<320000x128xf32, #tpu.memory_space<hbm>> -> memref<80x128xf32, #tpu.memory_space<hbm>>
        %dma_wait3A_631 = arith.constant 0 : i32
        %dma_wait3A_632 = tpu.memref_slice %arg10[%add3A_11, %dma_wait3A_631] : memref<320000x128xf32, #tpu.memory_space<hbm>> -> memref<80x128xf32, #tpu.memory_space<hbm>>
        tpu.wait_dma2 semaphore(%run_scoped3A : memref<!tpu.dma_semaphore, #tpu.memory_space<semaphore_mem>>) src(%arg17 : memref<80x128xf32, #tpu.memory_space<vmem>>) dst(%dma_wait3A_632 : memref<80x128xf32, #tpu.memory_space<hbm>>)
        tpu.yield
      }) : () -> ()
      "tpu.region"() ({
        %run_scoped3A = tpu.sem_alloc : memref<!tpu.dma_semaphore, #tpu.memory_space<semaphore_mem>>
        %dma_start3A_625 = tpu.memref_slice %arg11[%add3A_11] : memref<320000xf32, #tpu.memory_space<hbm>> -> memref<80xf32, #tpu.memory_space<hbm>>
        %dma_start3A_626 = tpu.memref_slice %arg11[%add3A_11] : memref<320000xf32, #tpu.memory_space<hbm>> -> memref<80xf32, #tpu.memory_space<hbm>>
        tpu.enqueue_dma source(%arg19 : memref<80xf32, #tpu.memory_space<vmem>>) target(%dma_start3A_626 : memref<80xf32, #tpu.memory_space<hbm>>) target_semaphore(%run_scoped3A : memref<!tpu.dma_semaphore, #tpu.memory_space<semaphore_mem>>)
        %dma_wait3A_627 = tpu.memref_slice %arg11[%add3A_11] : memref<320000xf32, #tpu.memory_space<hbm>> -> memref<80xf32, #tpu.memory_space<hbm>>
        %dma_wait3A_628 = tpu.memref_slice %arg11[%add3A_11] : memref<320000xf32, #tpu.memory_space<hbm>> -> memref<80xf32, #tpu.memory_space<hbm>>
        tpu.wait_dma2 semaphore(%run_scoped3A : memref<!tpu.dma_semaphore, #tpu.memory_space<semaphore_mem>>) src(%arg19 : memref<80xf32, #tpu.memory_space<vmem>>) dst(%dma_wait3A_628 : memref<80xf32, #tpu.memory_space<hbm>>)
        tpu.yield
      }) : () -> ()
      "tpu.region"() ({
        %run_scoped3A = tpu.sem_alloc : memref<!tpu.dma_semaphore, #tpu.memory_space<semaphore_mem>>
        %dma_start3A_625 = tpu.memref_slice %arg12[%add3A_11] : memref<320000xf32, #tpu.memory_space<hbm>> -> memref<80xf32, #tpu.memory_space<hbm>>
        %dma_start3A_626 = tpu.memref_slice %arg12[%add3A_11] : memref<320000xf32, #tpu.memory_space<hbm>> -> memref<80xf32, #tpu.memory_space<hbm>>
        tpu.enqueue_dma source(%arg20 : memref<80xf32, #tpu.memory_space<vmem>>) target(%dma_start3A_626 : memref<80xf32, #tpu.memory_space<hbm>>) target_semaphore(%run_scoped3A : memref<!tpu.dma_semaphore, #tpu.memory_space<semaphore_mem>>)
        %dma_wait3A_627 = tpu.memref_slice %arg12[%add3A_11] : memref<320000xf32, #tpu.memory_space<hbm>> -> memref<80xf32, #tpu.memory_space<hbm>>
        %dma_wait3A_628 = tpu.memref_slice %arg12[%add3A_11] : memref<320000xf32, #tpu.memory_space<hbm>> -> memref<80xf32, #tpu.memory_space<hbm>>
        tpu.wait_dma2 semaphore(%run_scoped3A : memref<!tpu.dma_semaphore, #tpu.memory_space<semaphore_mem>>) src(%arg20 : memref<80xf32, #tpu.memory_space<vmem>>) dst(%dma_wait3A_628 : memref<80xf32, #tpu.memory_space<hbm>>)
        tpu.yield
      }) : () -> ()
      "tpu.region"() ({
        %run_scoped3A = tpu.sem_alloc : memref<!tpu.dma_semaphore, #tpu.memory_space<semaphore_mem>>
        %dma_start3A_625 = tpu.memref_slice %arg13[%add3A_11] : memref<320000xf32, #tpu.memory_space<hbm>> -> memref<80xf32, #tpu.memory_space<hbm>>
        %dma_start3A_626 = tpu.memref_slice %arg13[%add3A_11] : memref<320000xf32, #tpu.memory_space<hbm>> -> memref<80xf32, #tpu.memory_space<hbm>>
        tpu.enqueue_dma source(%arg21 : memref<80xf32, #tpu.memory_space<vmem>>) target(%dma_start3A_626 : memref<80xf32, #tpu.memory_space<hbm>>) target_semaphore(%run_scoped3A : memref<!tpu.dma_semaphore, #tpu.memory_space<semaphore_mem>>)
        %dma_wait3A_627 = tpu.memref_slice %arg13[%add3A_11] : memref<320000xf32, #tpu.memory_space<hbm>> -> memref<80xf32, #tpu.memory_space<hbm>>
        %dma_wait3A_628 = tpu.memref_slice %arg13[%add3A_11] : memref<320000xf32, #tpu.memory_space<hbm>> -> memref<80xf32, #tpu.memory_space<hbm>>
        tpu.wait_dma2 semaphore(%run_scoped3A : memref<!tpu.dma_semaphore, #tpu.memory_space<semaphore_mem>>) src(%arg21 : memref<80xf32, #tpu.memory_space<vmem>>) dst(%dma_wait3A_628 : memref<80xf32, #tpu.memory_space<hbm>>)
        tpu.yield
      }) : () -> ()
    }
    %scan3A_7 = arith.constant 125 : i32
    return
  }
}

module attributes {stable_mosaic.version = 14 : i64} {
  func.func @_stage_a_body(%arg0: i32, %arg1: memref<1000x128xf32, #tpu.memory_space<vmem>>, %arg2: memref<128x128xf32, #tpu.memory_space<vmem>>, %arg3: memref<128x128xf32, #tpu.memory_space<vmem>>, %arg4: memref<1x128xf32, #tpu.memory_space<vmem>>, %arg5: memref<1000x128xf32, #tpu.memory_space<vmem>>, %arg6: memref<1000x128xf32, #tpu.memory_space<vmem>>) attributes {dimension_semantics = [#tpu.dimension_semantics<arbitrary>], iteration_bounds = array<i64: 10>, scalar_prefetch = 0 : i64, scratch_operands = 0 : i64, tpu.core_type = #tpu.core_type<tc>, window_params = [{transform_indices = @transform_0, window_bounds = array<i64: 1000, 128>}, {pipeline_mode = #tpu.pipeline_mode<synchronous>, transform_indices = @transform_1, window_bounds = array<i64: 128, 128>}, {pipeline_mode = #tpu.pipeline_mode<synchronous>, transform_indices = @transform_2, window_bounds = array<i64: 128, 128>}, {pipeline_mode = #tpu.pipeline_mode<synchronous>, transform_indices = @transform_3, window_bounds = array<i64: 1, 128>}, {transform_indices = @transform_4, window_bounds = array<i64: 1000, 128>}, {transform_indices = @transform_5, window_bounds = array<i64: 1000, 128>}]} {
    %get3A = arith.constant 0 : index
    %get3A_0 = arith.constant 0 : index
    %get3A_1 = vector.load %arg1[%get3A, %get3A_0] : memref<1000x128xf32, #tpu.memory_space<vmem>>, vector<1000x128xf32>
    %get3A_2 = arith.constant 0 : index
    %get3A_3 = arith.constant 0 : index
    %get3A_4 = vector.load %arg2[%get3A_2, %get3A_3] : memref<128x128xf32, #tpu.memory_space<vmem>>, vector<128x128xf32>
    %dot_general3A = arith.constant dense<0.000000e+00> : vector<1000x128xf32>
    %dot_general3A_5 = tpu.matmul %get3A_1, %get3A_4, %dot_general3A {dimension_numbers = #tpu.dot_dimension_numbers<[1], [0], [0], [1], [0, 0, 1, 1], [], []>, transpose_lhs_hint = false} : vector<1000x128xf32>, vector<128x128xf32>, vector<1000x128xf32> -> vector<1000x128xf32>
    %get3A_6 = arith.constant 0 : index
    %get3A_7 = arith.constant 0 : index
    %get3A_8 = vector.load %arg4[%get3A_6, %get3A_7] : memref<1x128xf32, #tpu.memory_space<vmem>>, vector<1x128xf32>
    %add3A = vector.broadcast %get3A_8 : vector<1x128xf32> to vector<1000x128xf32>
    %add3A_9 = arith.addf %dot_general3A_5, %add3A : vector<1000x128xf32>
    %swap3A = arith.constant 0 : index
    %swap3A_10 = arith.constant 0 : index
    %swap3A_11 = vector.load %arg5[%swap3A, %swap3A_10] : memref<1000x128xf32, #tpu.memory_space<vmem>>, vector<1000x128xf32>
    tpu.vector_store %arg5[%swap3A, %swap3A_10], %add3A_9 {strides = array<i32>} : memref<1000x128xf32, #tpu.memory_space<vmem>>, vector<1000x128xf32>,
    %get3A_12 = arith.constant 0 : index
    %get3A_13 = arith.constant 0 : index
    %get3A_14 = vector.load %arg3[%get3A_12, %get3A_13] : memref<128x128xf32, #tpu.memory_space<vmem>>, vector<128x128xf32>
    %dot_general3A_15 = arith.constant dense<0.000000e+00> : vector<1000x128xf32>
    %dot_general3A_16 = tpu.matmul %get3A_1, %get3A_14, %dot_general3A_15 {dimension_numbers = #tpu.dot_dimension_numbers<[1], [0], [0], [1], [0, 0, 1, 1], [], []>, transpose_lhs_hint = false} : vector<1000x128xf32>, vector<128x128xf32>, vector<1000x128xf32> -> vector<1000x128xf32>
    %swap3A_17 = arith.constant 0 : index
    %swap3A_18 = arith.constant 0 : index
    %swap3A_19 = vector.load %arg6[%swap3A_17, %swap3A_18] : memref<1000x128xf32, #tpu.memory_space<vmem>>, vector<1000x128xf32>
    tpu.vector_store %arg6[%swap3A_17, %swap3A_18], %dot_general3A_16 {strides = array<i32>} : memref<1000x128xf32, #tpu.memory_space<vmem>>, vector<1000x128xf32>,
    return
  }
  func.func @transform_0(%arg0: i32) -> (i32, i32) {
    %c0_i32 = arith.constant 0 : i32
    %c0_i32_0 = arith.constant 0 : i32
    return %arg0, %c0_i32 : i32, i32
  }
  func.func @transform_1(%arg0: i32) -> (i32, i32) {
    %c0_i32 = arith.constant 0 : i32
    %c0_i32_0 = arith.constant 0 : i32
    %c0_i32_1 = arith.constant 0 : i32
    return %c0_i32, %c0_i32_0 : i32, i32
  }
  func.func @transform_2(%arg0: i32) -> (i32, i32) {
    %c0_i32 = arith.constant 0 : i32
    %c0_i32_0 = arith.constant 0 : i32
    %c0_i32_1 = arith.constant 0 : i32
    return %c0_i32, %c0_i32_0 : i32, i32
  }
  func.func @transform_3(%arg0: i32) -> (i32, i32) {
    %c0_i32 = arith.constant 0 : i32
    %c0_i32_0 = arith.constant 0 : i32
    %c0_i32_1 = arith.constant 0 : i32
    return %c0_i32, %c0_i32_0 : i32, i32
  }
  func.func @transform_4(%arg0: i32) -> (i32, i32) {
    %c0_i32 = arith.constant 0 : i32
    %c0_i32_0 = arith.constant 0 : i32
    return %arg0, %c0_i32 : i32, i32
  }
  func.func @transform_5(%arg0: i32) -> (i32, i32) {
    %c0_i32 = arith.constant 0 : i32
    %c0_i32_0 = arith.constant 0 : i32
    return %arg0, %c0_i32 : i32, i32
  }
}

module attributes {stable_mosaic.version = 14 : i64} {
  func.func @_stage_c_body(%arg0: i32, %arg1: memref<512x128xf32, #tpu.memory_space<vmem>>, %arg2: memref<512x128xf32, #tpu.memory_space<vmem>>, %arg3: memref<512x16xf32, #tpu.memory_space<vmem>>, %arg4: memref<512xf32, #tpu.memory_space<vmem>>, %arg5: memref<512xf32, #tpu.memory_space<vmem>>, %arg6: memref<512xf32, #tpu.memory_space<vmem>>, %arg7: memref<128x128xf32, #tpu.memory_space<vmem>>, %arg8: memref<1x128xf32, #tpu.memory_space<vmem>>, %arg9: memref<128x128xf32, #tpu.memory_space<vmem>>, %arg10: memref<1x128xf32, #tpu.memory_space<vmem>>, %arg11: memref<1x128xf32, #tpu.memory_space<vmem>>, %arg12: memref<1x128xf32, #tpu.memory_space<vmem>>, %arg13: memref<16x128xf32, #tpu.memory_space<vmem>>, %arg14: memref<512x128xf32, #tpu.memory_space<vmem>>, %arg15: memref<512x128xf32, #tpu.memory_space<vmem>>) attributes {dimension_semantics = [#tpu.dimension_semantics<arbitrary>], iteration_bounds = array<i64: 625>, scalar_prefetch = 0 : i64, scratch_operands = 0 : i64, tpu.core_type = #tpu.core_type<tc>, window_params = [{transform_indices = @transform_0, window_bounds = array<i64: 512, 128>}, {transform_indices = @transform_1, window_bounds = array<i64: 512, 128>}, {transform_indices = @transform_2, window_bounds = array<i64: 512, 16>}, {transform_indices = @transform_3, window_bounds = array<i64: 512>}, {transform_indices = @transform_4, window_bounds = array<i64: 512>}, {transform_indices = @transform_5, window_bounds = array<i64: 512>}, {pipeline_mode = #tpu.pipeline_mode<synchronous>, transform_indices = @transform_6, window_bounds = array<i64: 128, 128>}, {pipeline_mode = #tpu.pipeline_mode<synchronous>, transform_indices = @transform_7, window_bounds = array<i64: 1, 128>}, {pipeline_mode = #tpu.pipeline_mode<synchronous>, transform_indices = @transform_8, window_bounds = array<i64: 128, 128>}, {pipeline_mode = #tpu.pipeline_mode<synchronous>, transform_indices = @transform_9, window_bounds = array<i64: 1, 128>}, {pipeline_mode = #tpu.pipeline_mode<synchronous>, transform_indices = @transform_10, window_bounds = array<i64: 1, 128>}, {pipeline_mode = #tpu.pipeline_mode<synchronous>, transform_indices = @transform_11, window_bounds = array<i64: 1, 128>}, {pipeline_mode = #tpu.pipeline_mode<synchronous>, transform_indices = @transform_12, window_bounds = array<i64: 16, 128>}, {transform_indices = @transform_13, window_bounds = array<i64: 512, 128>}, {transform_indices = @transform_14, window_bounds = array<i64: 512, 128>}]} {
    %get3A = arith.constant 0 : index
    %get3A_0 = arith.constant 0 : index
    %get3A_1 = vector.load %arg1[%get3A, %get3A_0] : memref<512x128xf32, #tpu.memory_space<vmem>>, vector<512x128xf32>
    %get3A_2 = arith.constant 0 : index
    %get3A_3 = arith.constant 0 : index
    %get3A_4 = vector.load %arg2[%get3A_2, %get3A_3] : memref<512x128xf32, #tpu.memory_space<vmem>>, vector<512x128xf32>
    %add3A = arith.addf %get3A_1, %get3A_4 : vector<512x128xf32>
    %get3A_5 = arith.constant 0 : index
    %get3A_6 = vector.load %arg4[%get3A_5] : memref<512xf32, #tpu.memory_space<vmem>>, vector<512xf32>
    %reshape3A = vector.shape_cast %get3A_6 : vector<512xf32> to vector<1x512xf32>
    %get3A_7 = arith.constant 0 : index
    %get3A_8 = vector.load %arg5[%get3A_7] : memref<512xf32, #tpu.memory_space<vmem>>, vector<512xf32>
    %reshape3A_9 = vector.shape_cast %get3A_8 : vector<512xf32> to vector<1x512xf32>
    %get3A_10 = arith.constant 0 : index
    %get3A_11 = vector.load %arg6[%get3A_10] : memref<512xf32, #tpu.memory_space<vmem>>, vector<512xf32>
    %reshape3A_12 = vector.shape_cast %get3A_11 : vector<512xf32> to vector<1x512xf32>
    %concatenate3A = tpu.concatenate %reshape3A, %reshape3A_9, %reshape3A_12 in 0 : vector<1x512xf32>, vector<1x512xf32>, vector<1x512xf32> -> vector<3x512xf32>
    %iota3A = tpu.iota {dimensions = array<i32: 0>} : vector<512x512xi32>
    %iota3A_13 = tpu.iota {dimensions = array<i32: 1>} : vector<512x512xi32>
    %eq3A = arith.cmpi eq, %iota3A, %iota3A_13 : vector<512x512xi32>
    %convert_element_type3A = arith.extui %eq3A : vector<512x512xi1> to vector<512x512xi32>
    %convert_element_type3A_14 = arith.sitofp %convert_element_type3A : vector<512x512xi32> to vector<512x512xf32>
    %dot_general3A = arith.constant dense<0.000000e+00> : vector<512x3xf32>
    %dot_general3A_15 = tpu.matmul %convert_element_type3A_14, %concatenate3A, %dot_general3A {dimension_numbers = #tpu.dot_dimension_numbers<[1], [1], [0], [0], [0, 0, 1, 0], [], []>, transpose_lhs_hint = false} : vector<512x512xf32>, vector<3x512xf32>, vector<512x3xf32> -> vector<512x3xf32>
    %mul3A = arith.mulf %dot_general3A_15, %dot_general3A_15 : vector<512x3xf32>
    %reduce_sum3A = arith.constant dense<0.000000e+00> : vector<512xf32>
    %reduce_sum3A_16 = vector.multi_reduction <add>, %mul3A, %reduce_sum3A [1] : vector<512x3xf32> to vector<512xf32>
    %broadcast_in_dim3A = vector.shape_cast %reduce_sum3A_16 : vector<512xf32> to vector<512x1xf32>
    %get3A_17 = arith.constant 0 : index
    %get3A_18 = arith.constant 0 : index
    %get3A_19 = vector.load %arg12[%get3A_17, %get3A_18] : memref<1x128xf32, #tpu.memory_space<vmem>>, vector<1x128xf32>
    %mul3A_20 = vector.broadcast %broadcast_in_dim3A : vector<512x1xf32> to vector<512x128xf32>
    %mul3A_21 = vector.broadcast %get3A_19 : vector<1x128xf32> to vector<512x128xf32>
    %mul3A_22 = arith.mulf %mul3A_20, %mul3A_21 : vector<512x128xf32>
    %add3A_23 = arith.addf %add3A, %mul3A_22 : vector<512x128xf32>
    %get3A_24 = arith.constant 0 : index
    %get3A_25 = arith.constant 0 : index
    %get3A_26 = vector.load %arg3[%get3A_24, %get3A_25] : memref<512x16xf32, #tpu.memory_space<vmem>>, vector<512x16xf32>
    %get3A_27 = arith.constant 0 : index
    %get3A_28 = arith.constant 0 : index
    %get3A_29 = vector.load %arg13[%get3A_27, %get3A_28] : memref<16x128xf32, #tpu.memory_space<vmem>>, vector<16x128xf32>
    %dot_general3A_30 = arith.constant dense<0.000000e+00> : vector<512x128xf32>
    %dot_general3A_31 = tpu.matmul %get3A_26, %get3A_29, %dot_general3A_30 {dimension_numbers = #tpu.dot_dimension_numbers<[1], [0], [0], [1], [0, 0, 1, 1], [], []>, transpose_lhs_hint = false} : vector<512x16xf32>, vector<16x128xf32>, vector<512x128xf32> -> vector<512x128xf32>
    %add3A_32 = arith.addf %add3A_23, %dot_general3A_31 : vector<512x128xf32>
    %neg3A = arith.constant 0.000000e+00 : f32
    %neg3A_33 = vector.broadcast %neg3A : f32 to vector<512x128xf32>
    %neg3A_34 = arith.subf %neg3A_33, %add3A_32 : vector<512x128xf32>
    %exp3A = math.exp %neg3A_34 : vector<512x128xf32>
    %add3A_35 = arith.constant 1.000000e+00 : f32
    %add3A_36 = vector.broadcast %add3A_35 : f32 to vector<512x128xf32>
    %add3A_37 = arith.addf %add3A_36, %exp3A : vector<512x128xf32>
    %div3A = arith.divf %add3A_32, %add3A_37 : vector<512x128xf32>
    %get3A_38 = arith.constant 0 : index
    %get3A_39 = arith.constant 0 : index
    %get3A_40 = vector.load %arg7[%get3A_38, %get3A_39] : memref<128x128xf32, #tpu.memory_space<vmem>>, vector<128x128xf32>
    %dot_general3A_41 = arith.constant dense<0.000000e+00> : vector<512x128xf32>
    %dot_general3A_42 = tpu.matmul %div3A, %get3A_40, %dot_general3A_41 {dimension_numbers = #tpu.dot_dimension_numbers<[1], [0], [0], [1], [0, 0, 1, 1], [], []>, transpose_lhs_hint = false} : vector<512x128xf32>, vector<128x128xf32>, vector<512x128xf32> -> vector<512x128xf32>
    %get3A_43 = arith.constant 0 : index
    %get3A_44 = arith.constant 0 : index
    %get3A_45 = vector.load %arg8[%get3A_43, %get3A_44] : memref<1x128xf32, #tpu.memory_space<vmem>>, vector<1x128xf32>
    %add3A_46 = vector.broadcast %get3A_45 : vector<1x128xf32> to vector<512x128xf32>
    %add3A_47 = arith.addf %dot_general3A_42, %add3A_46 : vector<512x128xf32>
    %neg3A_48 = arith.constant 0.000000e+00 : f32
    %neg3A_49 = vector.broadcast %neg3A_48 : f32 to vector<512x128xf32>
    %neg3A_50 = arith.subf %neg3A_49, %add3A_47 : vector<512x128xf32>
    %exp3A_51 = math.exp %neg3A_50 : vector<512x128xf32>
    %add3A_52 = arith.constant 1.000000e+00 : f32
    %add3A_53 = vector.broadcast %add3A_52 : f32 to vector<512x128xf32>
    %add3A_54 = arith.addf %add3A_53, %exp3A_51 : vector<512x128xf32>
    %div3A_55 = arith.divf %add3A_47, %add3A_54 : vector<512x128xf32>
    %get3A_56 = arith.constant 0 : index
    %get3A_57 = arith.constant 0 : index
    %get3A_58 = vector.load %arg9[%get3A_56, %get3A_57] : memref<128x128xf32, #tpu.memory_space<vmem>>, vector<128x128xf32>
    %dot_general3A_59 = arith.constant dense<0.000000e+00> : vector<512x128xf32>
    %dot_general3A_60 = tpu.matmul %div3A_55, %get3A_58, %dot_general3A_59 {dimension_numbers = #tpu.dot_dimension_numbers<[1], [0], [0], [1], [0, 0, 1, 1], [], []>, transpose_lhs_hint = false} : vector<512x128xf32>, vector<128x128xf32>, vector<512x128xf32> -> vector<512x128xf32>
    %get3A_61 = arith.constant 0 : index
    %get3A_62 = arith.constant 0 : index
    %get3A_63 = vector.load %arg10[%get3A_61, %get3A_62] : memref<1x128xf32, #tpu.memory_space<vmem>>, vector<1x128xf32>
    %add3A_64 = vector.broadcast %get3A_63 : vector<1x128xf32> to vector<512x128xf32>
    %add3A_65 = arith.addf %dot_general3A_60, %add3A_64 : vector<512x128xf32>
    %neg3A_66 = arith.constant 0.000000e+00 : f32
    %neg3A_67 = vector.broadcast %neg3A_66 : f32 to vector<512x128xf32>
    %neg3A_68 = arith.subf %neg3A_67, %add3A_65 : vector<512x128xf32>
    %exp3A_69 = math.exp %neg3A_68 : vector<512x128xf32>
    %add3A_70 = arith.constant 1.000000e+00 : f32
    %add3A_71 = vector.broadcast %add3A_70 : f32 to vector<512x128xf32>
    %add3A_72 = arith.addf %add3A_71, %exp3A_69 : vector<512x128xf32>
    %div3A_73 = arith.divf %add3A_65, %add3A_72 : vector<512x128xf32>
    %get3A_74 = arith.constant 0 : index
    %get3A_75 = arith.constant 0 : index
    %get3A_76 = vector.load %arg11[%get3A_74, %get3A_75] : memref<1x128xf32, #tpu.memory_space<vmem>>, vector<1x128xf32>
    %mul3A_77 = vector.broadcast %get3A_76 : vector<1x128xf32> to vector<512x128xf32>
    %mul3A_78 = arith.mulf %div3A_73, %mul3A_77 : vector<512x128xf32>
    %reduce_sum3A_79 = arith.constant dense<0.000000e+00> : vector<512xf32>
    %reduce_sum3A_80 = vector.multi_reduction <add>, %mul3A_78, %reduce_sum3A_79 [1] : vector<512x128xf32> to vector<512xf32>
    %broadcast_in_dim3A_81 = vector.shape_cast %reduce_sum3A_80 : vector<512xf32> to vector<512x1xf32>
    %swap3A = arith.constant 0 : index
    %swap3A_82 = arith.constant 0 : index
    %swap3A_83 = vector.load %arg14[%swap3A, %swap3A_82] : memref<512x128xf32, #tpu.memory_space<vmem>>, vector<512x128xf32>
    tpu.vector_store %arg14[%swap3A, %swap3A_82], %div3A_55 {strides = array<i32>} : memref<512x128xf32, #tpu.memory_space<vmem>>, vector<512x128xf32>,
    %mul3A_84 = vector.broadcast %broadcast_in_dim3A_81 : vector<512x1xf32> to vector<512x3xf32>
    %mul3A_85 = arith.mulf %mul3A_84, %dot_general3A_15 : vector<512x3xf32>
    %broadcast_in_dim3A_86 = arith.constant 1.000000e+00 : f32
    %broadcast_in_dim3A_87 = vector.broadcast %broadcast_in_dim3A_86 : f32 to vector<512x1xf32>
    %broadcast_in_dim3A_88 = arith.constant 0.000000e+00 : f32
    %broadcast_in_dim3A_89 = vector.broadcast %broadcast_in_dim3A_88 : f32 to vector<512x124xf32>
    %concatenate3A_90 = tpu.concatenate %mul3A_85, %broadcast_in_dim3A_87, %broadcast_in_dim3A_89 in 1 : vector<512x3xf32>, vector<512x1xf32>, vector<512x124xf32> -> vector<512x128xf32>
    %swap3A_91 = arith.constant 0 : index
    %swap3A_92 = arith.constant 0 : index
    %swap3A_93 = vector.load %arg15[%swap3A_91, %swap3A_92] : memref<512x128xf32, #tpu.memory_space<vmem>>, vector<512x128xf32>
    tpu.vector_store %arg15[%swap3A_91, %swap3A_92], %concatenate3A_90 {strides = array<i32>} : memref<512x128xf32, #tpu.memory_space<vmem>>, vector<512x128xf32>,
    return
  }
  func.func @transform_0(%arg0: i32) -> (i32, i32) {
    %c0_i32 = arith.constant 0 : i32
    %c0_i32_0 = arith.constant 0 : i32
    return %arg0, %c0_i32 : i32, i32
  }
  func.func @transform_1(%arg0: i32) -> (i32, i32) {
    %c0_i32 = arith.constant 0 : i32
    %c0_i32_0 = arith.constant 0 : i32
    return %arg0, %c0_i32 : i32, i32
  }
  func.func @transform_2(%arg0: i32) -> (i32, i32) {
    %c0_i32 = arith.constant 0 : i32
    %c0_i32_0 = arith.constant 0 : i32
    return %arg0, %c0_i32 : i32, i32
  }
  func.func @transform_3(%arg0: i32) -> i32 {
    %c0_i32 = arith.constant 0 : i32
    return %arg0 : i32
  }
  func.func @transform_4(%arg0: i32) -> i32 {
    %c0_i32 = arith.constant 0 : i32
    return %arg0 : i32
  }
  func.func @transform_5(%arg0: i32) -> i32 {
    %c0_i32 = arith.constant 0 : i32
    return %arg0 : i32
  }
  func.func @transform_6(%arg0: i32) -> (i32, i32) {
    %c0_i32 = arith.constant 0 : i32
    %c0_i32_0 = arith.constant 0 : i32
    %c0_i32_1 = arith.constant 0 : i32
    return %c0_i32, %c0_i32_0 : i32, i32
  }
  func.func @transform_7(%arg0: i32) -> (i32, i32) {
    %c0_i32 = arith.constant 0 : i32
    %c0_i32_0 = arith.constant 0 : i32
    %c0_i32_1 = arith.constant 0 : i32
    return %c0_i32, %c0_i32_0 : i32, i32
  }
  func.func @transform_8(%arg0: i32) -> (i32, i32) {
    %c0_i32 = arith.constant 0 : i32
    %c0_i32_0 = arith.constant 0 : i32
    %c0_i32_1 = arith.constant 0 : i32
    return %c0_i32, %c0_i32_0 : i32, i32
  }
  func.func @transform_9(%arg0: i32) -> (i32, i32) {
    %c0_i32 = arith.constant 0 : i32
    %c0_i32_0 = arith.constant 0 : i32
    %c0_i32_1 = arith.constant 0 : i32
    return %c0_i32, %c0_i32_0 : i32, i32
  }
  func.func @transform_10(%arg0: i32) -> (i32, i32) {
    %c0_i32 = arith.constant 0 : i32
    %c0_i32_0 = arith.constant 0 : i32
    %c0_i32_1 = arith.constant 0 : i32
    return %c0_i32, %c0_i32_0 : i32, i32
  }
  func.func @transform_11(%arg0: i32) -> (i32, i32) {
    %c0_i32 = arith.constant 0 : i32
    %c0_i32_0 = arith.constant 0 : i32
    %c0_i32_1 = arith.constant 0 : i32
    return %c0_i32, %c0_i32_0 : i32, i32
  }
  func.func @transform_12(%arg0: i32) -> (i32, i32) {
    %c0_i32 = arith.constant 0 : i32
    %c0_i32_0 = arith.constant 0 : i32
    %c0_i32_1 = arith.constant 0 : i32
    return %c0_i32, %c0_i32_0 : i32, i32
  }
  func.func @transform_13(%arg0: i32) -> (i32, i32) {
    %c0_i32 = arith.constant 0 : i32
    %c0_i32_0 = arith.constant 0 : i32
    return %arg0, %c0_i32 : i32, i32
  }
  func.func @transform_14(%arg0: i32) -> (i32, i32) {
    %c0_i32 = arith.constant 0 : i32
    %c0_i32_0 = arith.constant 0 : i32
    return %arg0, %c0_i32 : i32, i32
  }
}

module attributes {stable_mosaic.version = 14 : i64} {
  func.func @_stage_e_body(%arg0: i32, %arg1: memref<1000x128xf32, #tpu.memory_space<vmem>>, %arg2: memref<1000x128xf32, #tpu.memory_space<vmem>>, %arg3: memref<1000x128xf32, #tpu.memory_space<vmem>>, %arg4: memref<1000x128xf32, #tpu.memory_space<vmem>>, %arg5: memref<1000x128xf32, #tpu.memory_space<vmem>>, %arg6: memref<1000x3xf32, #tpu.memory_space<vmem>>, %arg7: memref<128x128xf32, #tpu.memory_space<vmem>>, %arg8: memref<128x128xf32, #tpu.memory_space<vmem>>, %arg9: memref<1x128xf32, #tpu.memory_space<vmem>>, %arg10: memref<128x128xf32, #tpu.memory_space<vmem>>, %arg11: memref<1x128xf32, #tpu.memory_space<vmem>>, %arg12: memref<1000x128xf32, #tpu.memory_space<vmem>>, %arg13: memref<1000x3xf32, #tpu.memory_space<vmem>>) attributes {dimension_semantics = [#tpu.dimension_semantics<arbitrary>], iteration_bounds = array<i64: 10>, scalar_prefetch = 0 : i64, scratch_operands = 0 : i64, tpu.core_type = #tpu.core_type<tc>, window_params = [{transform_indices = @transform_0, window_bounds = array<i64: 1000, 128>}, {transform_indices = @transform_1, window_bounds = array<i64: 1000, 128>}, {transform_indices = @transform_2, window_bounds = array<i64: 1000, 128>}, {transform_indices = @transform_3, window_bounds = array<i64: 1000, 128>}, {transform_indices = @transform_4, window_bounds = array<i64: 1000, 128>}, {transform_indices = @transform_5, window_bounds = array<i64: 1000, 3>}, {pipeline_mode = #tpu.pipeline_mode<synchronous>, transform_indices = @transform_6, window_bounds = array<i64: 128, 128>}, {pipeline_mode = #tpu.pipeline_mode<synchronous>, transform_indices = @transform_7, window_bounds = array<i64: 128, 128>}, {pipeline_mode = #tpu.pipeline_mode<synchronous>, transform_indices = @transform_8, window_bounds = array<i64: 1, 128>}, {pipeline_mode = #tpu.pipeline_mode<synchronous>, transform_indices = @transform_9, window_bounds = array<i64: 128, 128>}, {pipeline_mode = #tpu.pipeline_mode<synchronous>, transform_indices = @transform_10, window_bounds = array<i64: 1, 128>}, {transform_indices = @transform_11, window_bounds = array<i64: 1000, 128>}, {transform_indices = @transform_12, window_bounds = array<i64: 1000, 3>}]} {
    %get3A = arith.constant 0 : index
    %get3A_0 = arith.constant 0 : index
    %get3A_1 = vector.load %arg1[%get3A, %get3A_0] : memref<1000x128xf32, #tpu.memory_space<vmem>>, vector<1000x128xf32>
    %get3A_2 = arith.constant 0 : index
    %get3A_3 = arith.constant 0 : index
    %get3A_4 = vector.load %arg2[%get3A_2, %get3A_3] : memref<1000x128xf32, #tpu.memory_space<vmem>>, vector<1000x128xf32>
    %add3A = arith.addf %get3A_1, %get3A_4 : vector<1000x128xf32>
    %get3A_5 = arith.constant 0 : index
    %get3A_6 = arith.constant 0 : index
    %get3A_7 = vector.load %arg3[%get3A_5, %get3A_6] : memref<1000x128xf32, #tpu.memory_space<vmem>>, vector<1000x128xf32>
    %get3A_8 = arith.constant 0 : index
    %get3A_9 = arith.constant 0 : index
    %get3A_10 = vector.load %arg4[%get3A_8, %get3A_9] : memref<1000x128xf32, #tpu.memory_space<vmem>>, vector<1000x128xf32>
    %add3A_11 = arith.addf %get3A_7, %get3A_10 : vector<1000x128xf32>
    %slice3A = vector.extract_strided_slice %add3A_11 {offsets = [0, 0], sizes = [1000, 3], strides = [1, 1]} : vector<1000x128xf32> to vector<1000x3xf32>
    %slice3A_12 = vector.extract_strided_slice %add3A_11 {offsets = [0, 3], sizes = [1000, 1], strides = [1, 1]} : vector<1000x128xf32> to vector<1000x1xf32>
    %get3A_13 = arith.constant 0 : index
    %get3A_14 = arith.constant 0 : index
    %get3A_15 = vector.load %arg5[%get3A_13, %get3A_14] : memref<1000x128xf32, #tpu.memory_space<vmem>>, vector<1000x128xf32>
    %get3A_16 = arith.constant 0 : index
    %get3A_17 = arith.constant 0 : index
    %get3A_18 = vector.load %arg7[%get3A_16, %get3A_17] : memref<128x128xf32, #tpu.memory_space<vmem>>, vector<128x128xf32>
    %dot_general3A = arith.constant dense<0.000000e+00> : vector<1000x128xf32>
    %dot_general3A_19 = tpu.matmul %get3A_15, %get3A_18, %dot_general3A {dimension_numbers = #tpu.dot_dimension_numbers<[1], [0], [0], [1], [0, 0, 1, 1], [], []>, transpose_lhs_hint = false} : vector<1000x128xf32>, vector<128x128xf32>, vector<1000x128xf32> -> vector<1000x128xf32>
    %get3A_20 = arith.constant 0 : index
    %get3A_21 = arith.constant 0 : index
    %get3A_22 = vector.load %arg8[%get3A_20, %get3A_21] : memref<128x128xf32, #tpu.memory_space<vmem>>, vector<128x128xf32>
    %dot_general3A_23 = arith.constant dense<0.000000e+00> : vector<1000x128xf32>
    %dot_general3A_24 = tpu.matmul %add3A, %get3A_22, %dot_general3A_23 {dimension_numbers = #tpu.dot_dimension_numbers<[1], [0], [0], [1], [0, 0, 1, 1], [], []>, transpose_lhs_hint = false} : vector<1000x128xf32>, vector<128x128xf32>, vector<1000x128xf32> -> vector<1000x128xf32>
    %add3A_25 = arith.addf %dot_general3A_19, %dot_general3A_24 : vector<1000x128xf32>
    %get3A_26 = arith.constant 0 : index
    %get3A_27 = arith.constant 0 : index
    %get3A_28 = vector.load %arg9[%get3A_26, %get3A_27] : memref<1x128xf32, #tpu.memory_space<vmem>>, vector<1x128xf32>
    %add3A_29 = vector.broadcast %get3A_28 : vector<1x128xf32> to vector<1000x128xf32>
    %add3A_30 = arith.addf %add3A_25, %add3A_29 : vector<1000x128xf32>
    %neg3A = arith.constant 0.000000e+00 : f32
    %neg3A_31 = vector.broadcast %neg3A : f32 to vector<1000x128xf32>
    %neg3A_32 = arith.subf %neg3A_31, %add3A_30 : vector<1000x128xf32>
    %exp3A = math.exp %neg3A_32 : vector<1000x128xf32>
    %add3A_33 = arith.constant 1.000000e+00 : f32
    %add3A_34 = vector.broadcast %add3A_33 : f32 to vector<1000x128xf32>
    %add3A_35 = arith.addf %add3A_34, %exp3A : vector<1000x128xf32>
    %div3A = arith.divf %add3A_30, %add3A_35 : vector<1000x128xf32>
    %get3A_36 = arith.constant 0 : index
    %get3A_37 = arith.constant 0 : index
    %get3A_38 = vector.load %arg10[%get3A_36, %get3A_37] : memref<128x128xf32, #tpu.memory_space<vmem>>, vector<128x128xf32>
    %dot_general3A_39 = arith.constant dense<0.000000e+00> : vector<1000x128xf32>
    %dot_general3A_40 = tpu.matmul %div3A, %get3A_38, %dot_general3A_39 {dimension_numbers = #tpu.dot_dimension_numbers<[1], [0], [0], [1], [0, 0, 1, 1], [], []>, transpose_lhs_hint = false} : vector<1000x128xf32>, vector<128x128xf32>, vector<1000x128xf32> -> vector<1000x128xf32>
    %get3A_41 = arith.constant 0 : index
    %get3A_42 = arith.constant 0 : index
    %get3A_43 = vector.load %arg11[%get3A_41, %get3A_42] : memref<1x128xf32, #tpu.memory_space<vmem>>, vector<1x128xf32>
    %add3A_44 = vector.broadcast %get3A_43 : vector<1x128xf32> to vector<1000x128xf32>
    %add3A_45 = arith.addf %dot_general3A_40, %add3A_44 : vector<1000x128xf32>
    %swap3A = arith.constant 0 : index
    %swap3A_46 = arith.constant 0 : index
    %swap3A_47 = vector.load %arg12[%swap3A, %swap3A_46] : memref<1000x128xf32, #tpu.memory_space<vmem>>, vector<1000x128xf32>
    tpu.vector_store %arg12[%swap3A, %swap3A_46], %add3A_45 {strides = array<i32>} : memref<1000x128xf32, #tpu.memory_space<vmem>>, vector<1000x128xf32>,
    %get3A_48 = arith.constant 0 : index
    %get3A_49 = arith.constant 0 : index
    %get3A_50 = vector.load %arg6[%get3A_48, %get3A_49] : memref<1000x3xf32, #tpu.memory_space<vmem>>, vector<1000x3xf32>
    %max3A = arith.constant 1.000000e+00 : f32
    %max3A_51 = vector.broadcast %max3A : f32 to vector<1000x1xf32>
    %max3A_52 = arith.maximumf %slice3A_12, %max3A_51 : vector<1000x1xf32>
    %div3A_53 = vector.broadcast %max3A_52 : vector<1000x1xf32> to vector<1000x3xf32>
    %div3A_54 = arith.divf %slice3A, %div3A_53 : vector<1000x3xf32>
    %add3A_55 = arith.addf %get3A_50, %div3A_54 : vector<1000x3xf32>
    %swap3A_56 = arith.constant 0 : index
    %swap3A_57 = arith.constant 0 : index
    %swap3A_58 = vector.load %arg13[%swap3A_56, %swap3A_57] : memref<1000x3xf32, #tpu.memory_space<vmem>>, vector<1000x3xf32>
    tpu.vector_store %arg13[%swap3A_56, %swap3A_57], %add3A_55 {strides = array<i32>} : memref<1000x3xf32, #tpu.memory_space<vmem>>, vector<1000x3xf32>,
    return
  }
  func.func @transform_0(%arg0: i32) -> (i32, i32) {
    %c0_i32 = arith.constant 0 : i32
    %c0_i32_0 = arith.constant 0 : i32
    return %arg0, %c0_i32 : i32, i32
  }
  func.func @transform_1(%arg0: i32) -> (i32, i32) {
    %c0_i32 = arith.constant 0 : i32
    %c0_i32_0 = arith.constant 0 : i32
    return %arg0, %c0_i32 : i32, i32
  }
  func.func @transform_2(%arg0: i32) -> (i32, i32) {
    %c0_i32 = arith.constant 0 : i32
    %c0_i32_0 = arith.constant 0 : i32
    return %arg0, %c0_i32 : i32, i32
  }
  func.func @transform_3(%arg0: i32) -> (i32, i32) {
    %c0_i32 = arith.constant 0 : i32
    %c0_i32_0 = arith.constant 0 : i32
    return %arg0, %c0_i32 : i32, i32
  }
  func.func @transform_4(%arg0: i32) -> (i32, i32) {
    %c0_i32 = arith.constant 0 : i32
    %c0_i32_0 = arith.constant 0 : i32
    return %arg0, %c0_i32 : i32, i32
  }
  func.func @transform_5(%arg0: i32) -> (i32, i32) {
    %c0_i32 = arith.constant 0 : i32
    %c0_i32_0 = arith.constant 0 : i32
    return %arg0, %c0_i32 : i32, i32
  }
  func.func @transform_6(%arg0: i32) -> (i32, i32) {
    %c0_i32 = arith.constant 0 : i32
    %c0_i32_0 = arith.constant 0 : i32
    %c0_i32_1 = arith.constant 0 : i32
    return %c0_i32, %c0_i32_0 : i32, i32
  }
  func.func @transform_7(%arg0: i32) -> (i32, i32) {
    %c0_i32 = arith.constant 0 : i32
    %c0_i32_0 = arith.constant 0 : i32
    %c0_i32_1 = arith.constant 0 : i32
    return %c0_i32, %c0_i32_0 : i32, i32
  }
  func.func @transform_8(%arg0: i32) -> (i32, i32) {
    %c0_i32 = arith.constant 0 : i32
    %c0_i32_0 = arith.constant 0 : i32
    %c0_i32_1 = arith.constant 0 : i32
    return %c0_i32, %c0_i32_0 : i32, i32
  }
  func.func @transform_9(%arg0: i32) -> (i32, i32) {
    %c0_i32 = arith.constant 0 : i32
    %c0_i32_0 = arith.constant 0 : i32
    %c0_i32_1 = arith.constant 0 : i32
    return %c0_i32, %c0_i32_0 : i32, i32
  }
  func.func @transform_10(%arg0: i32) -> (i32, i32) {
    %c0_i32 = arith.constant 0 : i32
    %c0_i32_0 = arith.constant 0 : i32
    %c0_i32_1 = arith.constant 0 : i32
    return %c0_i32, %c0_i32_0 : i32, i32
  }
  func.func @transform_11(%arg0: i32) -> (i32, i32) {
    %c0_i32 = arith.constant 0 : i32
    %c0_i32_0 = arith.constant 0 : i32
    return %arg0, %c0_i32 : i32, i32
  }
  func.func @transform_12(%arg0: i32) -> (i32, i32) {
    %c0_i32 = arith.constant 0 : i32
    %c0_i32_0 = arith.constant 0 : i32
    return %arg0, %c0_i32 : i32, i32
  }
}

</mosaic_0001>

<sc_bundles>
// kernel: kernel.11.cloned.1.call-start
scs
__scs_entry_jumppad:
0x0: {  	(pc) =	sbr.rel $0x88, $3  }
0x1: {  	(tag) =	ssettag $0x0;
	lr =	simm.s32 $0x1  }
0x2: {  	[smem:$0x3F92] =	sst lr;
	_ =	strace $0xD0000000  }
0x3: {  	_ = 	snop  }
0x4: {  	_ = 	snop  }
0x5: {  	_ = 	snop  }
0x6: {  	_ = 	snop  }
0x7: {  	_ = 	snop  }
__scs_overlays_trampoline_lowered:
0x8: {  	[smem:$0x3FA1] =	sst s0  }
0x9: {  	[smem:$0x3FA2] =	sst s1  }
0xa: {  	[smem:$0x3FA3] =	sst s2  }
0xb: {  	[smem:$0x3FA4] =	sst s3  }
0xc: {  	[smem:$0x3FA5] =	sst s4  }
0xd: {  	[smem:$0x3FA6] =	sst s5  }
0xe: {  	[smem:$0x3FA7] =	sst s6  }
0xf: {  	[smem:$0x3FA8] =	sst s7  }
0x10: {  	[smem:$0x3FA9] =	sst s8  }
0x11: {  	[smem:$0x3FAA] =	sst s9;
	s0 =	simm.s32 @!p0 $0x0  }
0x12: {  	s1 =	sld [smem:$0x3F90];
	s0 =	simm.s32 @p0 $0x1  }
0x13: {  	[smem:$0x3FAB] =	sst s0;
	s0 =	simm.s32 @!p1 $0x0  }
0x14: {  	s2 =	sld [smem:$0x3F8F];
	s0 =	simm.s32 @p1 $0x1  }
0x15: {  	[smem:$0x3FAC] =	sst s0;
	s0 =	simm.s32 @!p2 $0x0  }
0x16: {  	s3 =	sld [smem:$0x3FDB];
	s0 =	simm.s32 @p2 $0x1  }
0x17: {  	s4 =	simm.s32 $0x1BF5;
	[smem:$0x3FAE] =	sst s0  }
0x18: {  	s0 =	sld [smem:$0x3F91];
	_ =	swait.ge [sflag:s4], $0x0  }
0x19: {  	s7 =	sld [smem:$0x3F92]  }
0x1a: {  	s8 =	sadd.s32 $0xFFFFE003, lr  }
0x1b: {  	s9 =	sadd.s32 $0xFFFFFEF7, lr;
	s5 =	simm.s32 $0xFFFFFFFF;
	p2 =	slt.u32 s8, $0xFFFFF086  }
0x1c: {  	p1 =	slt.u32 s9, $0xF7A;
	s5 =	simm.s32 @!p2 $0x0  }
0x1d: {  	s5 =	simm.s32 @p1 $0x1;
	p0 =	seq.s32 s7, s2  }
0x1e: {  	s7 =	smul.u32 @!p0 $0xF7A, s2;
	p2 =	seq.s32 @!p0 s5, $0x0  }
0x1f: {  	s9 =	smul.u32 $0xF7A, s1;
	s8 =	simm.s32 @!p0 $0x1BF5;
	p2 =	por !p2, p0  }
0x20: {  	[sflag:s8] =	ssyncset.s32 @!p0 $0xFFFFF086;
	s6 =	sadd.s32 @!p0 s3, s7;
	s7 =	simm.s32 @!p0 $0x108  }
0x21: {  	s3 =	sadd.s32 s3, s9;
	s6 =	sadd.s32 @!p0 $0x88, s6;
	s7 =	simm.s32 @p2 $0x1082  }
0x22: {  	[simem:s7], [sflag:s8] =	dma.local @!p0 [hbm:s6], $0xF7A  }
0x23: {  	s9 =	sor.u32 $0xD0000000, s2;
	s6 =	simm.s32 $0x108;
	_ =	swait.ge @!p0 [sflag:s8], $0x0  }
0x24: {  	s3 =	sadd.s32 $0x88, s3;
	s6 =	simm.s32 @!p1 $0x1082;
	[sflag:s4] =	ssyncset.s32 $0xFFFFF086  }
0x25: {  	[simem:s6], [sflag:s4] =	dma.local [hbm:s3], $0xF7A  }
0x26: {  	[smem:$0x3F92] =	sst s1;
	(tag) =	ssettag s2;
	_ =	strace s9  }
0x27: {  	s1 =	sld [smem:$0x3FA2]  }
0x28: {  	s2 =	sld [smem:$0x3FA3]  }
0x29: {  	s4 =	sld [smem:$0x3FA5]  }
0x2a: {  	p0 =	seq.s32 s5, $0x0;
	s5 =	sld [smem:$0x3FA6]  }
0x2b: {  	s6 =	sld [smem:$0x3FA7]  }
0x2c: {  	s7 =	sld [smem:$0x3FA8]  }
0x2d: {  	s3 =	simm.s32 $0x108;
	s8 =	sld [smem:$0x3FA9]  }
0x2e: {  	s3 =	simm.s32 @!p0 $0x1082;
	s9 =	sld [smem:$0x3FAA]  }
0x2f: {  	lr =	sadd.s32 s0, s3;
	s0 =	sld [smem:$0x3FA1]  }
0x30: {  	s3 =	sld [smem:$0x3FA4]  }
0x31: {  	[smem:$0x3FAD] =	sst s10  }
0x32: {  	s10 =	sld [smem:$0x3FAB];
	_ =	sdelay $0x3  }
0x33: {  	p0 =	seq.s32 s10, $0x1;
	s10 =	sld [smem:$0x3FAD];
	_ =	sdelay $0x3  }
0x34: {  	[smem:$0x3FAD] =	sst s10  }
0x35: {  	s10 =	sld [smem:$0x3FAC];
	_ =	sdelay $0x3  }
0x36: {  	p1 =	seq.s32 s10, $0x1;
	s10 =	sld [smem:$0x3FAD];
	_ =	sdelay $0x3  }
0x37: {  	[smem:$0x3FAD] =	sst s10  }
0x38: {  	s10 =	sld [smem:$0x3FAE]  }
0x39: {  	_ = 	snop;
	(pc) =	sbr.ind lr, $3  }
0x3a: {  	_ = 	snop  }
0x3b: {  	_ = 	snop  }
0x3c: {  	p2 =	seq.s32 s10, $0x1;
	s10 =	sld [smem:$0x3FAD]  }
0x3d: {  	_ =	shalt  }
0x3e: {  	_ =	shalt  }
0x3f: {  	_ =	shalt  }
0x40: {  	_ =	shalt  }
0x41: {  	_ =	shalt  }
0x42: {  	_ =	shalt  }
0x43: {  	_ =	shalt  }
0x44: {  	_ =	shalt  }
0x45: {  	_ =	shalt  }
0x46: {  	_ =	shalt  }
0x47: {  	_ =	shalt  }
0x48: {  	_ =	shalt  }
0x49: {  	_ =	shalt  }
0x4a: {  	_ =	shalt  }
0x4b: {  	_ =	shalt  }
0x4c: {  	_ =	shalt  }
0x4d: {  	_ =	shalt  }
0x4e: {  	_ =	shalt  }
0x4f: {  	_ =	shalt  }
0x50: {  	_ =	shalt  }
0x51: {  	_ =	shalt  }
0x52: {  	_ =	shalt  }
0x53: {  	_ =	shalt  }
0x54: {  	_ =	shalt  }
0x55: {  	_ =	shalt  }
0x56: {  	_ =	shalt  }
0x57: {  	_ =	shalt  }
0x58: {  	_ =	shalt  }
0x59: {  	_ =	shalt  }
0x5a: {  	_ =	shalt  }
0x5b: {  	_ =	shalt  }
0x5c: {  	_ =	shalt  }
0x5d: {  	_ =	shalt  }
0x5e: {  	_ =	shalt  }
0x5f: {  	_ =	shalt  }
0x60: {  	_ =	shalt  }
0x61: {  	_ =	shalt  }
0x62: {  	_ =	shalt  }
0x63: {  	_ =	shalt  }
0x64: {  	_ =	shalt  }
0x65: {  	_ =	shalt  }
0x66: {  	_ =	shalt  }
0x67: {  	_ =	shalt  }
0x68: {  	_ =	shalt  }
0x69: {  	_ =	shalt  }
0x6a: {  	_ =	shalt  }
0x6b: {  	_ =	shalt  }
0x6c: {  	_ =	shalt  }
0x6d: {  	_ =	shalt  }
0x6e: {  	_ =	shalt  }
0x6f: {  	_ =	shalt  }
0x70: {  	_ =	shalt  }
0x71: {  	_ =	shalt  }
0x72: {  	_ =	shalt  }
0x73: {  	_ =	shalt  }
0x74: {  	_ =	shalt  }
0x75: {  	_ =	shalt  }
0x76: {  	_ =	shalt  }
0x77: {  	_ =	shalt  }
0x78: {  	_ =	shalt  }
0x79: {  	_ =	shalt  }
0x7a: {  	_ =	shalt  }
0x7b: {  	_ =	shalt  }
0x7c: {  	_ =	shalt  }
0x7d: {  	_ =	shalt  }
0x7e: {  	_ =	shalt  }
0x7f: {  	_ =	shalt  }
0x80: {  	_ =	shalt  }
0x81: {  	_ =	shalt  }
0x82: {  	_ =	shalt  }
0x83: {  	_ =	shalt  }
0x84: {  	_ =	shalt  }
0x85: {  	_ =	shalt  }
0x86: {  	_ =	shalt  }
0x87: {  	_ =	shalt  }
.Lfunc_end0:
.L_simem_size_0:
called_computation.1_lowered:
.L_overlay_start_0:
0x88: {  	s2 =	sld [smem:$0x3FD9]  }
0x89: {  	s3 =	sld [smem:$0x3FFE];
	_ =	sdelay $0x1  }
0x8a: {  	s1 =	srdreg.scid  }
0x8b: {  	s0 =	sand.u32 $0x1, s1  }
0x8c: {  	s14 =	sshll.u32 s0, $0xA;
	s2 =	sadd.s32 s3, s2  }
0x8d: {  	s2 =	sadd.s32 s2, s14  }
0x8e: {  	[smem:$0x3FB9] =	sst s2  }
0x8f: {  	_ = 	snop  }
0x90: {  	s2 =	sld [smem:$0x3FD0];
	_ =	sdelay $0x2  }
0x91: {  	s15 =	simm.s32 $0xB;
	s4 =	simm.s32 $0x10  }
0x92: {  	[smem:s4], [sflag:s15] =	dma.local [hbm:s2], $0x1  }
0x93: {  	_ =	swait.eq [sflag:s15], $0x1  }
0x94: {  	[sflag:s15] =	ssyncset.done $0x0  }
0x95: {  	[sflag:s15] =	ssyncadd.s32 $0xFFFFFFFF  }
0x96: {  	s16 =	sld [smem:$0x10];
	(tm) =	ssettm $0x1  }
0x97: {  	s17 =	sld [smem:$0x3FFB];
	_ =	sdelay $0x3  }
0x98: {  	_ =	strace s17  }
0x99: {  	s3 =	sld [smem:$0x3FFC];
	_ =	sdelay $0x3  }
0x9a: {  	_ =	strace s3  }
0x9b: {  	s3 =	sld [smem:$0x3FFD];
	_ =	sdelay $0x3  }
0x9c: {  	_ =	strace s3  }
0x9d: {  	_ =	strace $0x8FFFFFFF  }
0x9e: {  	s18 =	sld [smem:$0x3FDB];
	_ =	sdelay $0x1  }
0x9f: {  	s19 =	simm.s32 $_scs_section_size  }
0xa0: {  	s5 =	simm.s32 $_size__tile_overlayer_lowered;
	s6 =	simm.s32 $_tile_overlayer_lowered  }
0xa1: {  	s22 =	simm.s32 $0x1BFF;
	s21 =	sshll.u32 s6, $0x1;
	s3 =	sadd.s32 s19, s18  }
0xa2: {  	s7 =	simm.s32 $0x0;
	s20 =	sshll.u32 s5, $0x1;
	s5 =	sadd.s32 s21, s3  }
0xa3: {  	[timem:s7], [sflag:s22] =	dma.local [hbm:s5], s20  }
0xa4: {  	_ =	swait.ge [sflag:s22], s20  }
0xa5: {  	s4 =	ssub.s32 $0x0, s20;
	[sflag:s22] =	ssyncset.done $0x0  }
0xa6: {  	[sflag:s22] =	ssyncadd.s32 s4;
	_ =	sdelay $0x1  }
0xa7: {  	s23 =	simm.s32 $0x1B8B  }
0xa8: {  	_ =	swait.ge [sflag:s23], $0x1  }
0xa9: {  	[sflag:s23] =	ssyncset.done $0x0  }
0xaa: {  	s25 =	simm.s32 $0x1B8E;
	s24 =	sld [smem:$0x3FFE];
	[sflag:s23] =	ssyncadd.s32 $0xFFFFFFFF  }
0xab: {  	s26 =	simm.s32 $execute0_lowered;
	[smem:$0x3FD2] =	sst s25  }
0xac: {  	s5 =	sshll.u32 s26, $0x1;
	_ =	strace $0x80000049;
	[dreg:$0x1] =	wrdreg $0xFFFFFFFF  }
0xad: {  	s28 =	simm.s32 $_size_execute0_lowered;
	s3 =	sadd.s32 s3, s5;
	[dreg:$0x0] =	wrdreg $0x0  }
0xae: {  	s5 =	sshll.u32 s28, $0x1;
	[dreg:$0x2] =	wrdreg s3  }
0xaf: {  	[dreg:$0x3] =	wrdreg s5  }
0xb0: {  	[dreg:$0x4] =	wrdreg $0xC0  }
0xb1: {  	_ =	task [dreg:s7], $0x5FFFF  }
0xb2: {  	[dreg:$0x1] =	wrdreg $0xFFFFFFFF  }
0xb3: {  	[dreg:$0x0] =	wrdreg $0x60  }
0xb4: {  	[dreg:$0x2] =	wrdreg s24  }
0xb5: {  	[dreg:$0x3] =	wrdreg s16  }
0xb6: {  	[dreg:$0x4] =	wrdreg $0x28800  }
0xb7: {  	[dreg:$0x5] =	wrdreg $0x9  }
0xb8: {  	_ =	task.clear_ibuf [dreg:s7], $0x6FFFF;
	_ =	strace $0x90000049  }
0xb9: {  	s29 =	simm.s32 $0x9;
	_ =	strace $0x8000004B  }
0xba: {  	_ =	swait.ge [sflag:s29], $0x1  }
0xbb: {  	[sflag:s29] =	ssyncadd.s32 $0xFFFFFFFF  }
0xbc: {  	_ =	strace $0x9000004B  }
0xbd: {  	_ =	sfence  }
0xbe: {  	s30 =	sld [smem:$0x0];
	_ =	sdelay $0x2  }
0xbf: {  	s31 =	sshll.u32 s1, $0xD;
	s1 =	sshrl.u32 s1, $0x2  }
0xc0: {  	s3 =	sand.u32 $0x4000, s31;
	s1 =	sadd.s32 s1, s30  }
0xc1: {  	s0 =	sor.u32 s3, s0;
	s1 =	sshll.u32 s1, $0x11  }
0xc2: {  	s0 =	sor.u32 s1, s0  }
0xc3: {  	s0 =	sadd.s32 $0x8F2B, s0  }
0xc4: {  	[sflag:s0] =	ssyncadd.remote.s32 $0x1  }
0xc5: {  	_ =	sfence.sel $0xFFFF  }
0xc6: {  	[dreg:$0x0] =	wrdreg $0xFFFFFFFF;
	(pc) =	sbr.abs _section_cstart, $3  }
0xc7: {  	[dreg:$0x1] =	wrdreg $0xFFFFFFFF  }
0xc8: {  	_ =	task.clear_ibuf [dreg:s7], $0x2FFFF;
	_ =	strace $0x9FFFFFFF  }
0xc9: {  	(tm) =	ssettm $0x7FFFFFFF  }
tec
execute0_lowered:
.L_overlay_start_1:
0x0: {  	(tag) =	ssettag $0x1  }
0x1: {  	s4 =	rddreg [dreg:$0x0];
	s1 =	stileid.u32  }
0x2: {  	s5 =	rddreg [dreg:$0x1];
	s8 =	smul.u32 $0x2710, s1  }
0x3: {  	s0 =	srdreg.scid;
	s25 =	smul.u32 $0x50000, s1  }
0x4: {  	s2 =	rddreg [dreg:$0x2];
	s11 =	smul.u32 $0x2800, s1  }
0x5: {  	s3 =	simm.s32 $0x0;
	s16 =	simm.s32 $0x50;
	s30 =	smul.u32 $0x14000, s1  }
0x6: {  	s6 =	sand.u32 $0x1, s0;
	s0 =	rddreg [dreg:$0x3];
	s31 =	smul.u32 $0x27100, s1  }
0x7: {  	s17 =	simm.s32 $0x0;
	[smem:$0x7FF] =	sst s3;
	s7 =	smul.u32 $0x27100, s6  }
0x8: {  	s12 =	sadd.s32 $0x17800, s4;
	p0 =	seq.s32 s1, $0xF;
	s9 =	smul.u32 $0x271000, s6  }
0x9: {  	_ =	strace $0x8000004A;
	s26 =	ssub.s32 $0x2, s6;
	s6 =	smul.u32 $0x138800, s6  }
0xa: {  	s28 =	sshrl.u32 s26, $0x1;
	s29 =	sshrl.u32 s25, $0x2;
	s7 =	sadd.s32 s8, s7  }
0xb: {  	s24 =	sadd.s32 s9, s4;
	s13 =	ssub.s32 s26, s28;
	s14 =	sadd.s32 s29, s2  }
0xc: {  	s7 =	sshrl.u32 s7, $0x3;
	s9 =	sadd.s32 s31, s24;
	s8 =	smax.u32 s13, $0x1  }
0xd: {  	s13 =	sshrl.u32 @!p0 s14, $0x3;
	s14 =	simm.s32 $0x1;
	s10 =	sadd.s32 s7, s4  }
0xe: {  	s4 =	sadd.s32 s5, s11;
	s11 =	sadd.s32 $0x12C000, s2;
	s7 =	sadd.s32 s30, s6  }
0xf: {  	s6 =	sshrl.u32 s6, $0x3;
	s5 =	sadd.s32 $0x25800, s5;
	s9 =	sadd.s32 $0xF03000, s9  }
0x10: {  	s7 =	sshrl.u32 s7, $0x3;
	s15 =	sadd.s32 s12, s6;
	s10 =	sadd.s32 $0xDA00, s10  }
0x11: {  	s11 =	sshrl.u32 @p0 s11, $0x3;
	s6 =	sadd.s32 s12, s7;
	s12 =	sshll.u32 @!p0 s1, $0x6  }
0x12: {  	s7 =	sadd.s32 $0x25800, s15;
	s15 =	simm.s32 $0x80;
	s12 =	sor.u32 @!p0 $0x1C01, s12  }
.LBB2_1:
0x13: {  	s18 =	simm.s32 @p0 $0x1FC1  }
0x14: {  	[spmem:s11], [sflag:s18] =	dma.local @p0 [hbm:s5], $0x1900  }
0x15: {  	s18 =	simm.s32 @p0 $0x1  }
0x16: {  	_ =	swait.ge @p0 [sflag:s18], $0x1900  }
0x17: {  	[sflag:s18] =	ssyncset.done @p0 $0x0  }
0x18: {  	[sflag:s18] =	ssyncadd.s32 @p0 $0xFFFFE700;
	s18 =	simm.s32 @!p0 $0x1  }
0x19: {  	[spmem:s13], [sflag:s12] =	dma.local @!p0 [hbm:s4], $0x2800  }
0x1a: {  	_ =	swait.ge @!p0 [sflag:s18], $0x2800  }
0x1b: {  	[sflag:s18] =	ssyncset.done @!p0 $0x0  }
0x1c: {  	[sflag:s18] =	ssyncadd.s32 @!p0 $0xFFFFD800  }
0x1d: {  	s31 =	sadd.s32 $0x0, s10;
	[bflag:$0x0] =	sbarrier.arrive $0xFFFF  }
0x1e: {  	[tilespmem:s3], [sflag:$0x1] =	stream.linear.gather [hbm4b:s31+s3], $0x50, $0x38;
	[tilespmem:$0x16100] =	vst v63  }
0x1f: {  	_ =	swait.ge [sflag:s14], $0x50  }
0x20: {  	[sflag:s14] =	ssyncset.done $0x0  }
0x21: {  	[sflag:s14] =	ssyncadd.s32 $0xFFFFFFB0  }
0x22: {  	[tilespmem:s15], [sflag:$0x1] =	stream.linear.gather [hbm4b:s9+s3], $0x2800, $0x38;
	[tilespmem:$0x16100] =	vst v63  }
0x23: {  	_ =	swait.ge [sflag:s14], $0x2800  }
0x24: {  	[sflag:s14] =	ssyncset.done $0x0  }
0x25: {  	[sflag:s14] =	ssyncadd.s32 $0xFFFFD800  }
0x26: {  	[spmem:s2] =	stream.indirect.scatter.add.f32 [tilespmem:s15], [sflag:$0x1], $0x80, s3, s16, $0xb8;
	[tilespmem:$0x16100] =	vst v63  }
0x27: {  	s19 =	simm.s32 $0xA;
	_ =	swait.ge [sflag:s14], $0x2800  }
0x28: {  	s20 =	simm.s32 $0x14;
	s18 =	sadd.s32 $0x500, s9;
	[sflag:s14] =	ssyncset.done $0x0  }
.LBB2_2:
0x29: {  	s21 =	sadd.s32 s19, s10  }
0x2a: {  	[sflag:s14] =	ssyncadd.s32 $0xFFFFD800;
	s19 =	smov.u32 s20;
	s22 =	sadd.s32 $0xA, s20  }
0x2b: {  	[tilespmem:s3], [sflag:$0x1] =	stream.linear.gather [hbm4b:s21+s3], $0x50, $0x38;
	[tilespmem:$0x16100] =	vst v63  }
0x2c: {  	p1 =	sne.s32 s20, $0x4D8;
	_ =	swait.ge [sflag:s14], $0x50  }
0x2d: {  	[sflag:s14] =	ssyncset.done $0x0  }
0x2e: {  	[sflag:s14] =	ssyncadd.s32 $0xFFFFFFB0  }
0x2f: {  	[tilespmem:s15], [sflag:$0x1] =	stream.linear.gather [hbm4b:s18+s3], $0x2800, $0x38;
	[tilespmem:$0x16100] =	vst v63  }
0x30: {  	_ =	swait.ge [sflag:s14], $0x2800  }
.Ltmp0:
0x31: {  	[sflag:s14] =	ssyncset.done $0x0;
	(pc) =	sbr.rel @p1 .LBB2_2-.Ltmp0, $4  }
0x32: {  	[sflag:s14] =	ssyncadd.s32 $0xFFFFD800  }
0x33: {  	[spmem:s2] =	stream.indirect.scatter.add.f32 [tilespmem:s15], [sflag:$0x1], $0x80, s3, s16, $0xb8;
	[tilespmem:$0x16100] =	vst v63  }
0x34: {  	_ =	swait.ge [sflag:s14], $0x2800  }
0x35: {  	s20 =	smov.u32 s22;
	s18 =	sadd.s32 $0x500, s18;
	[sflag:s14] =	ssyncset.done $0x0  }
0x36: {  	s19 =	sadd.s32 s19, s10;
	[sflag:s14] =	ssyncadd.s32 $0xFFFFD800  }
0x37: {  	[tilespmem:s3], [sflag:$0x1] =	stream.linear.gather [hbm4b:s19+s3], $0x50, $0x38;
	[tilespmem:$0x16100] =	vst v63  }
0x38: {  	_ =	swait.ge [sflag:s14], $0x50  }
0x39: {  	[sflag:s14] =	ssyncset.done $0x0  }
0x3a: {  	[sflag:s14] =	ssyncadd.s32 $0xFFFFFFB0  }
0x3b: {  	[tilespmem:s15], [sflag:$0x1] =	stream.linear.gather [hbm4b:s18+s3], $0x2800, $0x38;
	[tilespmem:$0x16100] =	vst v63  }
0x3c: {  	_ =	swait.ge [sflag:s14], $0x2800  }
0x3d: {  	[sflag:s14] =	ssyncset.done $0x0  }
0x3e: {  	[sflag:s14] =	ssyncadd.s32 $0xFFFFD800  }
0x3f: {  	[spmem:s2] =	stream.indirect.scatter.add.f32 [tilespmem:s15], [sflag:$0x1], $0x80, s3, s16, $0xb8;
	[tilespmem:$0x16100] =	vst v63  }
0x40: {  	_ =	swait.ge [sflag:s14], $0x2800  }
0x41: {  	[sflag:s14] =	ssyncset.done $0x0  }
0x42: {  	[sflag:s14] =	ssyncadd.s32 $0xFFFFD800  }
0x43: {  	s18 =	simm.s32 @p0 $0x1FC1;
	[bflag:$0x0] =	sbarrier.arrive $0xFFFF  }
0x44: {  	[hbm:s7], [sflag:s18] =	dma.local @p0 [spmem:s11], $0x1900  }
0x45: {  	s18 =	simm.s32 @p0 $0x1  }
0x46: {  	s17 =	sadd.s32 $0x1, s17;
	_ =	swait.ge @p0 [sflag:s18], $0x1900  }
0x47: {  	p1 =	sne.s32 s17, s8;
	[sflag:s18] =	ssyncset.done @p0 $0x0  }
.Ltmp1:
0x48: {  	[sflag:s18] =	ssyncadd.s32 @p0 $0xFFFFE700;
	s18 =	simm.s32 @!p0 $0x1;
	(pc) =	sbr.rel @p1 .LBB2_1-.Ltmp1, $4  }
0x49: {  	[hbm:s6], [sflag:s12] =	dma.local @!p0 [spmem:s13], $0x2800  }
0x4a: {  	_ =	swait.ge @!p0 [sflag:s18], $0x2800  }
0x4b: {  	[sflag:s18] =	ssyncset.done @!p0 $0x0  }
0x4c: {  	[sflag:s18] =	ssyncadd.s32 @!p0 $0xFFFFD800  }
0x4d: {  	_ =	sfence.sel $0x180000  }
0x4e: {  	[bflag:$0x0] =	sbarrier.arrive $0xFFFF  }
0x4f: {  	p0 =	sne.s32 s1, $0x0;
	_ =	strace $0x9000004A  }
0x50: {  	s0 =	sadd.s32 @!p0 $0x100000, s0;
	[bflag:$0x2] =	sbarrier.arrive $0xFFFF  }
0x51: {  	[sflag:s0] =	ssyncadd.tile.s32 @!p0 $0x1;
	_ =	shalt  }
.Lfunc_end2:
_tile_overlayer_lowered:
.L_overlay_start_2:
0x52: {  	(tag) =	ssettag $0x2  }
0x53: {  	s0 =	rddreg [dreg:$0x0];
	s2 =	stileid.u32  }
0x54: {  	s1 =	rddreg [dreg:$0x1];
	p0 =	sne.s32 s2, $0x0  }
0x55: {  	s3 =	rddreg [dreg:$0x2];
	[bflag:$0x3] =	sbarrier.arrive $0xFFFF;
	s2 =	simm.s32 @!p0 $0x1C01  }
0x56: {  	[timem:s3], [sflag:s2] =	dma.local @!p0 [hbm:s0], s1  }
0x57: {  	s0 =	simm.s32 @!p0 $0x1  }
0x58: {  	_ =	swait.ge @!p0 [sflag:s0], s1  }
0x59: {  	s1 =	ssub.s32 @!p0 $0x0, s1;
	[sflag:s0] =	ssyncset.done @!p0 $0x0  }
0x5a: {  	[sflag:s0] =	ssyncadd.s32 @!p0 s1  }
0x5b: {  	[bflag:$0x3] =	sbarrier.arrive $0xFFFF  }
0x5c: {  	_ =	shalt  }

// kernel: kernel.14.cloned.1.call-start
scs
__scs_entry_jumppad:
0x0: {  	(pc) =	sbr.rel $0x88, $3  }
0x1: {  	(tag) =	ssettag $0x0;
	lr =	simm.s32 $0x1  }
0x2: {  	[smem:$0x3F92] =	sst lr;
	_ =	strace $0xD0000000  }
0x3: {  	_ = 	snop  }
0x4: {  	_ = 	snop  }
0x5: {  	_ = 	snop  }
0x6: {  	_ = 	snop  }
0x7: {  	_ = 	snop  }
__scs_overlays_trampoline_lowered:
0x8: {  	[smem:$0x3FA1] =	sst s0  }
0x9: {  	[smem:$0x3FA2] =	sst s1  }
0xa: {  	[smem:$0x3FA3] =	sst s2  }
0xb: {  	[smem:$0x3FA4] =	sst s3  }
0xc: {  	[smem:$0x3FA5] =	sst s4  }
0xd: {  	[smem:$0x3FA6] =	sst s5  }
0xe: {  	[smem:$0x3FA7] =	sst s6  }
0xf: {  	[smem:$0x3FA8] =	sst s7  }
0x10: {  	[smem:$0x3FA9] =	sst s8  }
0x11: {  	[smem:$0x3FAA] =	sst s9;
	s0 =	simm.s32 @!p0 $0x0  }
0x12: {  	s1 =	sld [smem:$0x3F90];
	s0 =	simm.s32 @p0 $0x1  }
0x13: {  	[smem:$0x3FAB] =	sst s0;
	s0 =	simm.s32 @!p1 $0x0  }
0x14: {  	s2 =	sld [smem:$0x3F8F];
	s0 =	simm.s32 @p1 $0x1  }
0x15: {  	[smem:$0x3FAC] =	sst s0;
	s0 =	simm.s32 @!p2 $0x0  }
0x16: {  	s3 =	sld [smem:$0x3FDB];
	s0 =	simm.s32 @p2 $0x1  }
0x17: {  	s4 =	simm.s32 $0x1BF5;
	[smem:$0x3FAE] =	sst s0  }
0x18: {  	s0 =	sld [smem:$0x3F91];
	_ =	swait.ge [sflag:s4], $0x0  }
0x19: {  	s7 =	sld [smem:$0x3F92]  }
0x1a: {  	s8 =	sadd.s32 $0xFFFFE003, lr  }
0x1b: {  	s9 =	sadd.s32 $0xFFFFFEF7, lr;
	s5 =	simm.s32 $0xFFFFFFFF;
	p2 =	slt.u32 s8, $0xFFFFF086  }
0x1c: {  	p1 =	slt.u32 s9, $0xF7A;
	s5 =	simm.s32 @!p2 $0x0  }
0x1d: {  	s5 =	simm.s32 @p1 $0x1;
	p0 =	seq.s32 s7, s2  }
0x1e: {  	s7 =	smul.u32 @!p0 $0xF7A, s2;
	p2 =	seq.s32 @!p0 s5, $0x0  }
0x1f: {  	s9 =	smul.u32 $0xF7A, s1;
	s8 =	simm.s32 @!p0 $0x1BF5;
	p2 =	por !p2, p0  }
0x20: {  	[sflag:s8] =	ssyncset.s32 @!p0 $0xFFFFF086;
	s6 =	sadd.s32 @!p0 s3, s7;
	s7 =	simm.s32 @!p0 $0x108  }
0x21: {  	s3 =	sadd.s32 s3, s9;
	s6 =	sadd.s32 @!p0 $0x88, s6;
	s7 =	simm.s32 @p2 $0x1082  }
0x22: {  	[simem:s7], [sflag:s8] =	dma.local @!p0 [hbm:s6], $0xF7A  }
0x23: {  	s9 =	sor.u32 $0xD0000000, s2;
	s6 =	simm.s32 $0x108;
	_ =	swait.ge @!p0 [sflag:s8], $0x0  }
0x24: {  	s3 =	sadd.s32 $0x88, s3;
	s6 =	simm.s32 @!p1 $0x1082;
	[sflag:s4] =	ssyncset.s32 $0xFFFFF086  }
0x25: {  	[simem:s6], [sflag:s4] =	dma.local [hbm:s3], $0xF7A  }
0x26: {  	[smem:$0x3F92] =	sst s1;
	(tag) =	ssettag s2;
	_ =	strace s9  }
0x27: {  	s1 =	sld [smem:$0x3FA2]  }
0x28: {  	s2 =	sld [smem:$0x3FA3]  }
0x29: {  	s4 =	sld [smem:$0x3FA5]  }
0x2a: {  	p0 =	seq.s32 s5, $0x0;
	s5 =	sld [smem:$0x3FA6]  }
0x2b: {  	s6 =	sld [smem:$0x3FA7]  }
0x2c: {  	s7 =	sld [smem:$0x3FA8]  }
0x2d: {  	s3 =	simm.s32 $0x108;
	s8 =	sld [smem:$0x3FA9]  }
0x2e: {  	s3 =	simm.s32 @!p0 $0x1082;
	s9 =	sld [smem:$0x3FAA]  }
0x2f: {  	lr =	sadd.s32 s0, s3;
	s0 =	sld [smem:$0x3FA1]  }
0x30: {  	s3 =	sld [smem:$0x3FA4]  }
0x31: {  	[smem:$0x3FAD] =	sst s10  }
0x32: {  	s10 =	sld [smem:$0x3FAB];
	_ =	sdelay $0x3  }
0x33: {  	p0 =	seq.s32 s10, $0x1;
	s10 =	sld [smem:$0x3FAD];
	_ =	sdelay $0x3  }
0x34: {  	[smem:$0x3FAD] =	sst s10  }
0x35: {  	s10 =	sld [smem:$0x3FAC];
	_ =	sdelay $0x3  }
0x36: {  	p1 =	seq.s32 s10, $0x1;
	s10 =	sld [smem:$0x3FAD];
	_ =	sdelay $0x3  }
0x37: {  	[smem:$0x3FAD] =	sst s10  }
0x38: {  	s10 =	sld [smem:$0x3FAE]  }
0x39: {  	_ = 	snop;
	(pc) =	sbr.ind lr, $3  }
0x3a: {  	_ = 	snop  }
0x3b: {  	_ = 	snop  }
0x3c: {  	p2 =	seq.s32 s10, $0x1;
	s10 =	sld [smem:$0x3FAD]  }
0x3d: {  	_ =	shalt  }
0x3e: {  	_ =	shalt  }
0x3f: {  	_ =	shalt  }
0x40: {  	_ =	shalt  }
0x41: {  	_ =	shalt  }
0x42: {  	_ =	shalt  }
0x43: {  	_ =	shalt  }
0x44: {  	_ =	shalt  }
0x45: {  	_ =	shalt  }
0x46: {  	_ =	shalt  }
0x47: {  	_ =	shalt  }
0x48: {  	_ =	shalt  }
0x49: {  	_ =	shalt  }
0x4a: {  	_ =	shalt  }
0x4b: {  	_ =	shalt  }
0x4c: {  	_ =	shalt  }
0x4d: {  	_ =	shalt  }
0x4e: {  	_ =	shalt  }
0x4f: {  	_ =	shalt  }
0x50: {  	_ =	shalt  }
0x51: {  	_ =	shalt  }
0x52: {  	_ =	shalt  }
0x53: {  	_ =	shalt  }
0x54: {  	_ =	shalt  }
0x55: {  	_ =	shalt  }
0x56: {  	_ =	shalt  }
0x57: {  	_ =	shalt  }
0x58: {  	_ =	shalt  }
0x59: {  	_ =	shalt  }
0x5a: {  	_ =	shalt  }
0x5b: {  	_ =	shalt  }
0x5c: {  	_ =	shalt  }
0x5d: {  	_ =	shalt  }
0x5e: {  	_ =	shalt  }
0x5f: {  	_ =	shalt  }
0x60: {  	_ =	shalt  }
0x61: {  	_ =	shalt  }
0x62: {  	_ =	shalt  }
0x63: {  	_ =	shalt  }
0x64: {  	_ =	shalt  }
0x65: {  	_ =	shalt  }
0x66: {  	_ =	shalt  }
0x67: {  	_ =	shalt  }
0x68: {  	_ =	shalt  }
0x69: {  	_ =	shalt  }
0x6a: {  	_ =	shalt  }
0x6b: {  	_ =	shalt  }
0x6c: {  	_ =	shalt  }
0x6d: {  	_ =	shalt  }
0x6e: {  	_ =	shalt  }
0x6f: {  	_ =	shalt  }
0x70: {  	_ =	shalt  }
0x71: {  	_ =	shalt  }
0x72: {  	_ =	shalt  }
0x73: {  	_ =	shalt  }
0x74: {  	_ =	shalt  }
0x75: {  	_ =	shalt  }
0x76: {  	_ =	shalt  }
0x77: {  	_ =	shalt  }
0x78: {  	_ =	shalt  }
0x79: {  	_ =	shalt  }
0x7a: {  	_ =	shalt  }
0x7b: {  	_ =	shalt  }
0x7c: {  	_ =	shalt  }
0x7d: {  	_ =	shalt  }
0x7e: {  	_ =	shalt  }
0x7f: {  	_ =	shalt  }
0x80: {  	_ =	shalt  }
0x81: {  	_ =	shalt  }
0x82: {  	_ =	shalt  }
0x83: {  	_ =	shalt  }
0x84: {  	_ =	shalt  }
0x85: {  	_ =	shalt  }
0x86: {  	_ =	shalt  }
0x87: {  	_ =	shalt  }
.Lfunc_end0:
.L_simem_size_0:
called_computation.2_lowered:
.L_overlay_start_0:
0x88: {  	s2 =	sld [smem:$0x3FD9]  }
0x89: {  	s3 =	sld [smem:$0x3FFE];
	_ =	sdelay $0x1  }
0x8a: {  	s1 =	srdreg.scid  }
0x8b: {  	s0 =	sand.u32 $0x1, s1  }
0x8c: {  	s15 =	sshll.u32 s0, $0xA;
	s2 =	sadd.s32 s3, s2  }
0x8d: {  	s2 =	sadd.s32 s2, s15  }
0x8e: {  	[smem:$0x3FB9] =	sst s2  }
0x8f: {  	_ = 	snop  }
0x90: {  	s2 =	sld [smem:$0x3FD0];
	_ =	sdelay $0x2  }
0x91: {  	s16 =	simm.s32 $0xB;
	s4 =	simm.s32 $0x10  }
0x92: {  	[smem:s4], [sflag:s16] =	dma.local [hbm:s2], $0x1  }
0x93: {  	_ =	swait.eq [sflag:s16], $0x1  }
0x94: {  	[sflag:s16] =	ssyncset.done $0x0  }
0x95: {  	[sflag:s16] =	ssyncadd.s32 $0xFFFFFFFF  }
0x96: {  	s17 =	sld [smem:$0x10];
	(tm) =	ssettm $0x1  }
0x97: {  	s18 =	sld [smem:$0x3FFB];
	_ =	sdelay $0x3  }
0x98: {  	_ =	strace s18  }
0x99: {  	s2 =	sld [smem:$0x3FFC];
	_ =	sdelay $0x3  }
0x9a: {  	_ =	strace s2  }
0x9b: {  	s2 =	sld [smem:$0x3FFD];
	_ =	sdelay $0x3  }
0x9c: {  	_ =	strace s2  }
0x9d: {  	_ =	strace $0x8FFFFFFF  }
0x9e: {  	s19 =	sld [smem:$0x3FDB];
	_ =	sdelay $0x1  }
0x9f: {  	s20 =	simm.s32 $_scs_section_size  }
0xa0: {  	s5 =	simm.s32 $_size__tile_overlayer_lowered;
	s6 =	simm.s32 $_tile_overlayer_lowered  }
0xa1: {  	s7 =	simm.s32 $0x1BFF;
	s21 =	sshll.u32 s6, $0x1;
	s4 =	sadd.s32 s20, s19  }
0xa2: {  	s22 =	simm.s32 $0x0;
	s5 =	sshll.u32 s5, $0x1;
	s6 =	sadd.s32 s21, s4  }
0xa3: {  	[timem:s22], [sflag:s7] =	dma.local [hbm:s6], s5  }
0xa4: {  	_ =	swait.ge [sflag:s7], s5  }
0xa5: {  	s5 =	ssub.s32 $0x0, s5;
	[sflag:s7] =	ssyncset.done $0x0  }
0xa6: {  	[sflag:s7] =	ssyncadd.s32 s5;
	_ =	sdelay $0x1  }
0xa7: {  	s23 =	simm.s32 $0x1B8B  }
0xa8: {  	_ =	swait.ge [sflag:s23], $0x1  }
0xa9: {  	[sflag:s23] =	ssyncset.done $0x0  }
0xaa: {  	[sflag:s23] =	ssyncadd.s32 $0xFFFFFFFF  }
0xab: {  	s5 =	sld [smem:$0x0]  }
0xac: {  	s6 =	sand.u32 $0xFFFFFFFE, s1  }
0xad: {  	p0 =	sne.s32 s1, s6  }
0xae: {  	s6 =	sshll.u32 @p0 s6, $0xE  }
0xaf: {  	s6 =	sadd.s32 @p0 $0x11B8D, s6;
	s7 =	sshll.u32 @p0 s5, $0x11  }
0xb0: {  	s6 =	sor.u32 @p0 s7, s6  }
0xb1: {  	[sflag:s6] =	ssyncadd.remote.s32 @p0 $0x1;
	_ =	sdelay $0x1  }
0xb2: {  	s6 =	simm.s32 @p0 $0x1B8D  }
0xb3: {  	_ =	swait.eq @p0 [sflag:s6], $0x1  }
0xb4: {  	[sflag:s6] =	ssyncadd.s32 @p0 $0xFFFFFFFF  }
0xb5: {  	s7 =	sshll.u32 @!p0 s1, $0xE  }
0xb6: {  	s7 =	sor.u32 @!p0 $0x4000, s7;
	s6 =	simm.s32 @!p0 $0x1B8D  }
0xb7: {  	s5 =	sshll.u32 @!p0 s5, $0x11;
	s7 =	sadd.s32 @!p0 $0x11B8D, s7;
	_ =	swait.eq @!p0 [sflag:s6], $0x1  }
0xb8: {  	s5 =	sor.u32 @!p0 s5, s7;
	[sflag:s6] =	ssyncadd.s32 @!p0 $0xFFFFFFFF  }
0xb9: {  	s25 =	simm.s32 $0x1B8E;
	s24 =	sld [smem:$0x3FFE];
	[sflag:s5] =	ssyncadd.remote.s32 @!p0 $0x1  }
0xba: {  	s26 =	simm.s32 $execute0_lowered;
	[smem:$0x3FD2] =	sst s25  }
0xbb: {  	s6 =	sshll.u32 s26, $0x1;
	_ =	strace $0x8000004C;
	[dreg:$0x1] =	wrdreg $0xFFFFFFFF  }
0xbc: {  	s28 =	simm.s32 $_size_execute0_lowered;
	s4 =	sadd.s32 s4, s6;
	[dreg:$0x0] =	wrdreg $0x0  }
0xbd: {  	s6 =	sshll.u32 s28, $0x1;
	[dreg:$0x2] =	wrdreg s4  }
0xbe: {  	[dreg:$0x3] =	wrdreg s6  }
0xbf: {  	[dreg:$0x4] =	wrdreg $0xC0  }
0xc0: {  	_ =	task [dreg:s22], $0x5FFFF  }
0xc1: {  	[dreg:$0x1] =	wrdreg $0xFFFFFFFF  }
0xc2: {  	[dreg:$0x0] =	wrdreg $0x60  }
0xc3: {  	[dreg:$0x2] =	wrdreg s24  }
0xc4: {  	[dreg:$0x3] =	wrdreg s17  }
0xc5: {  	[dreg:$0x4] =	wrdreg $0x28800  }
0xc6: {  	[dreg:$0x5] =	wrdreg $0xA  }
0xc7: {  	_ =	task.clear_ibuf [dreg:s22], $0x6FFFF;
	_ =	strace $0x9000004C  }
0xc8: {  	s29 =	simm.s32 $0xA;
	_ =	strace $0x8000004E  }
0xc9: {  	_ =	swait.ge [sflag:s29], $0x1  }
0xca: {  	[sflag:s29] =	ssyncadd.s32 $0xFFFFFFFF  }
0xcb: {  	_ =	strace $0x9000004E  }
0xcc: {  	_ =	sfence  }
0xcd: {  	s30 =	sld [smem:$0x0];
	_ =	sdelay $0x2  }
0xce: {  	s31 =	sshll.u32 s1, $0xD;
	s1 =	sshrl.u32 s1, $0x2  }
0xcf: {  	s4 =	sand.u32 $0x4000, s31;
	s1 =	sadd.s32 s1, s30  }
0xd0: {  	s0 =	sor.u32 s4, s0;
	s1 =	sshll.u32 s1, $0x11  }
0xd1: {  	s0 =	sor.u32 s1, s0  }
0xd2: {  	s0 =	sadd.s32 $0x8F2B, s0  }
0xd3: {  	[sflag:s0] =	ssyncadd.remote.s32 $0x1  }
0xd4: {  	_ =	sfence.sel $0xFFFF  }
0xd5: {  	[dreg:$0x0] =	wrdreg $0xFFFFFFFF;
	(pc) =	sbr.abs _section_cstart, $3  }
0xd6: {  	[dreg:$0x1] =	wrdreg $0xFFFFFFFF  }
0xd7: {  	_ =	task.clear_ibuf [dreg:s22], $0x2FFFF;
	_ =	strace $0x9FFFFFFF  }
0xd8: {  	(tm) =	ssettm $0x7FFFFFFF  }
0xd9: {  	_ =	shalt  }
tec
execute0_lowered:
.L_overlay_start_1:
0x0: {  	(tag) =	ssettag $0x1  }
0x1: {  	s4 =	rddreg [dreg:$0x0];
	s1 =	stileid.u32  }
0x2: {  	s5 =	rddreg [dreg:$0x1];
	s8 =	smul.u32 $0x2710, s1  }
0x3: {  	s0 =	srdreg.scid;
	s25 =	smul.u32 $0x50000, s1  }
0x4: {  	s2 =	rddreg [dreg:$0x2];
	s11 =	smul.u32 $0x2800, s1  }
0x5: {  	s3 =	simm.s32 $0x0;
	s16 =	simm.s32 $0x50;
	s30 =	smul.u32 $0x14000, s1  }
0x6: {  	s6 =	sand.u32 $0x1, s0;
	s0 =	rddreg [dreg:$0x3];
	s31 =	smul.u32 $0x27100, s1  }
0x7: {  	s17 =	simm.s32 $0x0;
	[smem:$0x7FF] =	sst s3;
	s7 =	smul.u32 $0x27100, s6  }
0x8: {  	s12 =	sadd.s32 $0x65A00, s4;
	p0 =	seq.s32 s1, $0xF;
	s9 =	smul.u32 $0x271000, s6  }
0x9: {  	_ =	strace $0x8000004D;
	s26 =	ssub.s32 $0x2, s6;
	s6 =	smul.u32 $0x138800, s6  }
0xa: {  	s28 =	sshrl.u32 s26, $0x1;
	s29 =	sshrl.u32 s25, $0x2;
	s7 =	sadd.s32 s8, s7  }
0xb: {  	s24 =	sadd.s32 s9, s4;
	s13 =	ssub.s32 s26, s28;
	s14 =	sadd.s32 s29, s2  }
0xc: {  	s7 =	sshrl.u32 s7, $0x3;
	s9 =	sadd.s32 s31, s24;
	s8 =	smax.u32 s13, $0x1  }
0xd: {  	s13 =	sshrl.u32 @!p0 s14, $0x3;
	s14 =	simm.s32 $0x1;
	s10 =	sadd.s32 s7, s4  }
0xe: {  	s4 =	sadd.s32 s5, s11;
	s11 =	sadd.s32 $0x12C000, s2;
	s7 =	sadd.s32 s30, s6  }
0xf: {  	s6 =	sshrl.u32 s6, $0x3;
	s5 =	sadd.s32 $0x25800, s5;
	s9 =	sadd.s32 $0x13E5000, s9  }
0x10: {  	s7 =	sshrl.u32 s7, $0x3;
	s15 =	sadd.s32 s12, s6;
	s10 =	sadd.s32 $0xDA00, s10  }
0x11: {  	s11 =	sshrl.u32 @p0 s11, $0x3;
	s6 =	sadd.s32 s12, s7;
	s12 =	sshll.u32 @!p0 s1, $0x6  }
0x12: {  	s7 =	sadd.s32 $0x25800, s15;
	s15 =	simm.s32 $0x80;
	s12 =	sor.u32 @!p0 $0x1C01, s12  }
.LBB2_1:
0x13: {  	s18 =	simm.s32 @p0 $0x1FC1  }
0x14: {  	[spmem:s11], [sflag:s18] =	dma.local @p0 [hbm:s5], $0x1900  }
0x15: {  	s18 =	simm.s32 @p0 $0x1  }
0x16: {  	_ =	swait.ge @p0 [sflag:s18], $0x1900  }
0x17: {  	[sflag:s18] =	ssyncset.done @p0 $0x0  }
0x18: {  	[sflag:s18] =	ssyncadd.s32 @p0 $0xFFFFE700;
	s18 =	simm.s32 @!p0 $0x1  }
0x19: {  	[spmem:s13], [sflag:s12] =	dma.local @!p0 [hbm:s4], $0x2800  }
0x1a: {  	_ =	swait.ge @!p0 [sflag:s18], $0x2800  }
0x1b: {  	[sflag:s18] =	ssyncset.done @!p0 $0x0  }
0x1c: {  	[sflag:s18] =	ssyncadd.s32 @!p0 $0xFFFFD800  }
0x1d: {  	s31 =	sadd.s32 $0x0, s10;
	[bflag:$0x0] =	sbarrier.arrive $0xFFFF  }
0x1e: {  	[tilespmem:s3], [sflag:$0x1] =	stream.linear.gather [hbm4b:s31+s3], $0x50, $0x38;
	[tilespmem:$0x16100] =	vst v63  }
0x1f: {  	_ =	swait.ge [sflag:s14], $0x50  }
0x20: {  	[sflag:s14] =	ssyncset.done $0x0  }
0x21: {  	[sflag:s14] =	ssyncadd.s32 $0xFFFFFFB0  }
0x22: {  	[tilespmem:s15], [sflag:$0x1] =	stream.linear.gather [hbm4b:s9+s3], $0x2800, $0x38;
	[tilespmem:$0x16100] =	vst v63  }
0x23: {  	_ =	swait.ge [sflag:s14], $0x2800  }
0x24: {  	[sflag:s14] =	ssyncset.done $0x0  }
0x25: {  	[sflag:s14] =	ssyncadd.s32 $0xFFFFD800  }
0x26: {  	[spmem:s2] =	stream.indirect.scatter.add.f32 [tilespmem:s15], [sflag:$0x1], $0x80, s3, s16, $0xb8;
	[tilespmem:$0x16100] =	vst v63  }
0x27: {  	s19 =	simm.s32 $0xA;
	_ =	swait.ge [sflag:s14], $0x2800  }
0x28: {  	s20 =	simm.s32 $0x14;
	s18 =	sadd.s32 $0x500, s9;
	[sflag:s14] =	ssyncset.done $0x0  }
.LBB2_2:
0x29: {  	s21 =	sadd.s32 s19, s10  }
0x2a: {  	[sflag:s14] =	ssyncadd.s32 $0xFFFFD800;
	s19 =	smov.u32 s20;
	s22 =	sadd.s32 $0xA, s20  }
0x2b: {  	[tilespmem:s3], [sflag:$0x1] =	stream.linear.gather [hbm4b:s21+s3], $0x50, $0x38;
	[tilespmem:$0x16100] =	vst v63  }
0x2c: {  	p1 =	sne.s32 s20, $0x4D8;
	_ =	swait.ge [sflag:s14], $0x50  }
0x2d: {  	[sflag:s14] =	ssyncset.done $0x0  }
0x2e: {  	[sflag:s14] =	ssyncadd.s32 $0xFFFFFFB0  }
0x2f: {  	[tilespmem:s15], [sflag:$0x1] =	stream.linear.gather [hbm4b:s18+s3], $0x2800, $0x38;
	[tilespmem:$0x16100] =	vst v63  }
0x30: {  	_ =	swait.ge [sflag:s14], $0x2800  }
.Ltmp0:
0x31: {  	[sflag:s14] =	ssyncset.done $0x0;
	(pc) =	sbr.rel @p1 .LBB2_2-.Ltmp0, $4  }
0x32: {  	[sflag:s14] =	ssyncadd.s32 $0xFFFFD800  }
0x33: {  	[spmem:s2] =	stream.indirect.scatter.add.f32 [tilespmem:s15], [sflag:$0x1], $0x80, s3, s16, $0xb8;
	[tilespmem:$0x16100] =	vst v63  }
0x34: {  	_ =	swait.ge [sflag:s14], $0x2800  }
0x35: {  	s20 =	smov.u32 s22;
	s18 =	sadd.s32 $0x500, s18;
	[sflag:s14] =	ssyncset.done $0x0  }
0x36: {  	s19 =	sadd.s32 s19, s10;
	[sflag:s14] =	ssyncadd.s32 $0xFFFFD800  }
0x37: {  	[tilespmem:s3], [sflag:$0x1] =	stream.linear.gather [hbm4b:s19+s3], $0x50, $0x38;
	[tilespmem:$0x16100] =	vst v63  }
0x38: {  	_ =	swait.ge [sflag:s14], $0x50  }
0x39: {  	[sflag:s14] =	ssyncset.done $0x0  }
0x3a: {  	[sflag:s14] =	ssyncadd.s32 $0xFFFFFFB0  }
0x3b: {  	[tilespmem:s15], [sflag:$0x1] =	stream.linear.gather [hbm4b:s18+s3], $0x2800, $0x38;
	[tilespmem:$0x16100] =	vst v63  }
0x3c: {  	_ =	swait.ge [sflag:s14], $0x2800  }
0x3d: {  	[sflag:s14] =	ssyncset.done $0x0  }
0x3e: {  	[sflag:s14] =	ssyncadd.s32 $0xFFFFD800  }
0x3f: {  	[spmem:s2] =	stream.indirect.scatter.add.f32 [tilespmem:s15], [sflag:$0x1], $0x80, s3, s16, $0xb8;
	[tilespmem:$0x16100] =	vst v63  }
0x40: {  	_ =	swait.ge [sflag:s14], $0x2800  }
0x41: {  	[sflag:s14] =	ssyncset.done $0x0  }
0x42: {  	[sflag:s14] =	ssyncadd.s32 $0xFFFFD800  }
0x43: {  	s18 =	simm.s32 @p0 $0x1FC1;
	[bflag:$0x0] =	sbarrier.arrive $0xFFFF  }
0x44: {  	[hbm:s7], [sflag:s18] =	dma.local @p0 [spmem:s11], $0x1900  }
0x45: {  	s18 =	simm.s32 @p0 $0x1  }
0x46: {  	s17 =	sadd.s32 $0x1, s17;
	_ =	swait.ge @p0 [sflag:s18], $0x1900  }
0x47: {  	p1 =	sne.s32 s17, s8;
	[sflag:s18] =	ssyncset.done @p0 $0x0  }
.Ltmp1:
0x48: {  	[sflag:s18] =	ssyncadd.s32 @p0 $0xFFFFE700;
	s18 =	simm.s32 @!p0 $0x1;
	(pc) =	sbr.rel @p1 .LBB2_1-.Ltmp1, $4  }
0x49: {  	[hbm:s6], [sflag:s12] =	dma.local @!p0 [spmem:s13], $0x2800  }
0x4a: {  	_ =	swait.ge @!p0 [sflag:s18], $0x2800  }
0x4b: {  	[sflag:s18] =	ssyncset.done @!p0 $0x0  }
0x4c: {  	[sflag:s18] =	ssyncadd.s32 @!p0 $0xFFFFD800  }
0x4d: {  	_ =	sfence.sel $0x180000  }
0x4e: {  	[bflag:$0x0] =	sbarrier.arrive $0xFFFF  }
0x4f: {  	p0 =	sne.s32 s1, $0x0;
	_ =	strace $0x9000004D  }
0x50: {  	s0 =	sadd.s32 @!p0 $0x100000, s0;
	[bflag:$0x2] =	sbarrier.arrive $0xFFFF  }
0x51: {  	[sflag:s0] =	ssyncadd.tile.s32 @!p0 $0x1;
	_ =	shalt  }
.Lfunc_end2:
_tile_overlayer_lowered:
.L_overlay_start_2:
0x52: {  	(tag) =	ssettag $0x2  }
0x53: {  	s0 =	rddreg [dreg:$0x0];
	s2 =	stileid.u32  }
0x54: {  	s1 =	rddreg [dreg:$0x1];
	p0 =	sne.s32 s2, $0x0  }
0x55: {  	s3 =	rddreg [dreg:$0x2];
	[bflag:$0x3] =	sbarrier.arrive $0xFFFF;
	s2 =	simm.s32 @!p0 $0x1C01  }
0x56: {  	[timem:s3], [sflag:s2] =	dma.local @!p0 [hbm:s0], s1  }
0x57: {  	s0 =	simm.s32 @!p0 $0x1  }
0x58: {  	_ =	swait.ge @!p0 [sflag:s0], s1  }
0x59: {  	s1 =	ssub.s32 @!p0 $0x0, s1;
	[sflag:s0] =	ssyncset.done @!p0 $0x0  }
0x5a: {  	[sflag:s0] =	ssyncadd.s32 @!p0 s1  }
0x5b: {  	[bflag:$0x3] =	sbarrier.arrive $0xFFFF  }
0x5c: {  	_ =	shalt  }

// kernel: kernel.8.cloned.1.call-start
scs
__scs_entry_jumppad:
0x0: {  	(pc) =	sbr.rel $0x88, $3  }
0x1: {  	(tag) =	ssettag $0x0;
	lr =	simm.s32 $0x1  }
0x2: {  	[smem:$0x3F92] =	sst lr;
	_ =	strace $0xD0000000  }
0x3: {  	_ = 	snop  }
0x4: {  	_ = 	snop  }
0x5: {  	_ = 	snop  }
0x6: {  	_ = 	snop  }
0x7: {  	_ = 	snop  }
__scs_overlays_trampoline_lowered:
0x8: {  	[smem:$0x3FA1] =	sst s0  }
0x9: {  	[smem:$0x3FA2] =	sst s1  }
0xa: {  	[smem:$0x3FA3] =	sst s2  }
0xb: {  	[smem:$0x3FA4] =	sst s3  }
0xc: {  	[smem:$0x3FA5] =	sst s4  }
0xd: {  	[smem:$0x3FA6] =	sst s5  }
0xe: {  	[smem:$0x3FA7] =	sst s6  }
0xf: {  	[smem:$0x3FA8] =	sst s7  }
0x10: {  	[smem:$0x3FA9] =	sst s8  }
0x11: {  	[smem:$0x3FAA] =	sst s9;
	s0 =	simm.s32 @!p0 $0x0  }
0x12: {  	s1 =	sld [smem:$0x3F90];
	s0 =	simm.s32 @p0 $0x1  }
0x13: {  	[smem:$0x3FAB] =	sst s0;
	s0 =	simm.s32 @!p1 $0x0  }
0x14: {  	s2 =	sld [smem:$0x3F8F];
	s0 =	simm.s32 @p1 $0x1  }
0x15: {  	[smem:$0x3FAC] =	sst s0;
	s0 =	simm.s32 @!p2 $0x0  }
0x16: {  	s3 =	sld [smem:$0x3FDB];
	s0 =	simm.s32 @p2 $0x1  }
0x17: {  	s4 =	simm.s32 $0x1BF5;
	[smem:$0x3FAE] =	sst s0  }
0x18: {  	s0 =	sld [smem:$0x3F91];
	_ =	swait.ge [sflag:s4], $0x0  }
0x19: {  	s7 =	sld [smem:$0x3F92]  }
0x1a: {  	s8 =	sadd.s32 $0xFFFFE003, lr  }
0x1b: {  	s9 =	sadd.s32 $0xFFFFFEF7, lr;
	s5 =	simm.s32 $0xFFFFFFFF;
	p2 =	slt.u32 s8, $0xFFFFF086  }
0x1c: {  	p1 =	slt.u32 s9, $0xF7A;
	s5 =	simm.s32 @!p2 $0x0  }
0x1d: {  	s5 =	simm.s32 @p1 $0x1;
	p0 =	seq.s32 s7, s2  }
0x1e: {  	s7 =	smul.u32 @!p0 $0xF7A, s2;
	p2 =	seq.s32 @!p0 s5, $0x0  }
0x1f: {  	s9 =	smul.u32 $0xF7A, s1;
	s8 =	simm.s32 @!p0 $0x1BF5;
	p2 =	por !p2, p0  }
0x20: {  	[sflag:s8] =	ssyncset.s32 @!p0 $0xFFFFF086;
	s6 =	sadd.s32 @!p0 s3, s7;
	s7 =	simm.s32 @!p0 $0x108  }
0x21: {  	s3 =	sadd.s32 s3, s9;
	s6 =	sadd.s32 @!p0 $0x88, s6;
	s7 =	simm.s32 @p2 $0x1082  }
0x22: {  	[simem:s7], [sflag:s8] =	dma.local @!p0 [hbm:s6], $0xF7A  }
0x23: {  	s9 =	sor.u32 $0xD0000000, s2;
	s6 =	simm.s32 $0x108;
	_ =	swait.ge @!p0 [sflag:s8], $0x0  }
0x24: {  	s3 =	sadd.s32 $0x88, s3;
	s6 =	simm.s32 @!p1 $0x1082;
	[sflag:s4] =	ssyncset.s32 $0xFFFFF086  }
0x25: {  	[simem:s6], [sflag:s4] =	dma.local [hbm:s3], $0xF7A  }
0x26: {  	[smem:$0x3F92] =	sst s1;
	(tag) =	ssettag s2;
	_ =	strace s9  }
0x27: {  	s1 =	sld [smem:$0x3FA2]  }
0x28: {  	s2 =	sld [smem:$0x3FA3]  }
0x29: {  	s4 =	sld [smem:$0x3FA5]  }
0x2a: {  	p0 =	seq.s32 s5, $0x0;
	s5 =	sld [smem:$0x3FA6]  }
0x2b: {  	s6 =	sld [smem:$0x3FA7]  }
0x2c: {  	s7 =	sld [smem:$0x3FA8]  }
0x2d: {  	s3 =	simm.s32 $0x108;
	s8 =	sld [smem:$0x3FA9]  }
0x2e: {  	s3 =	simm.s32 @!p0 $0x1082;
	s9 =	sld [smem:$0x3FAA]  }
0x2f: {  	lr =	sadd.s32 s0, s3;
	s0 =	sld [smem:$0x3FA1]  }
0x30: {  	s3 =	sld [smem:$0x3FA4]  }
0x31: {  	[smem:$0x3FAD] =	sst s10  }
0x32: {  	s10 =	sld [smem:$0x3FAB];
	_ =	sdelay $0x3  }
0x33: {  	p0 =	seq.s32 s10, $0x1;
	s10 =	sld [smem:$0x3FAD];
	_ =	sdelay $0x3  }
0x34: {  	[smem:$0x3FAD] =	sst s10  }
0x35: {  	s10 =	sld [smem:$0x3FAC];
	_ =	sdelay $0x3  }
0x36: {  	p1 =	seq.s32 s10, $0x1;
	s10 =	sld [smem:$0x3FAD];
	_ =	sdelay $0x3  }
0x37: {  	[smem:$0x3FAD] =	sst s10  }
0x38: {  	s10 =	sld [smem:$0x3FAE]  }
0x39: {  	_ = 	snop;
	(pc) =	sbr.ind lr, $3  }
0x3a: {  	_ = 	snop  }
0x3b: {  	_ = 	snop  }
0x3c: {  	p2 =	seq.s32 s10, $0x1;
	s10 =	sld [smem:$0x3FAD]  }
0x3d: {  	_ =	shalt  }
0x3e: {  	_ =	shalt  }
0x3f: {  	_ =	shalt  }
0x40: {  	_ =	shalt  }
0x41: {  	_ =	shalt  }
0x42: {  	_ =	shalt  }
0x43: {  	_ =	shalt  }
0x44: {  	_ =	shalt  }
0x45: {  	_ =	shalt  }
0x46: {  	_ =	shalt  }
0x47: {  	_ =	shalt  }
0x48: {  	_ =	shalt  }
0x49: {  	_ =	shalt  }
0x4a: {  	_ =	shalt  }
0x4b: {  	_ =	shalt  }
0x4c: {  	_ =	shalt  }
0x4d: {  	_ =	shalt  }
0x4e: {  	_ =	shalt  }
0x4f: {  	_ =	shalt  }
0x50: {  	_ =	shalt  }
0x51: {  	_ =	shalt  }
0x52: {  	_ =	shalt  }
0x53: {  	_ =	shalt  }
0x54: {  	_ =	shalt  }
0x55: {  	_ =	shalt  }
0x56: {  	_ =	shalt  }
0x57: {  	_ =	shalt  }
0x58: {  	_ =	shalt  }
0x59: {  	_ =	shalt  }
0x5a: {  	_ =	shalt  }
0x5b: {  	_ =	shalt  }
0x5c: {  	_ =	shalt  }
0x5d: {  	_ =	shalt  }
0x5e: {  	_ =	shalt  }
0x5f: {  	_ =	shalt  }
0x60: {  	_ =	shalt  }
0x61: {  	_ =	shalt  }
0x62: {  	_ =	shalt  }
0x63: {  	_ =	shalt  }
0x64: {  	_ =	shalt  }
0x65: {  	_ =	shalt  }
0x66: {  	_ =	shalt  }
0x67: {  	_ =	shalt  }
0x68: {  	_ =	shalt  }
0x69: {  	_ =	shalt  }
0x6a: {  	_ =	shalt  }
0x6b: {  	_ =	shalt  }
0x6c: {  	_ =	shalt  }
0x6d: {  	_ =	shalt  }
0x6e: {  	_ =	shalt  }
0x6f: {  	_ =	shalt  }
0x70: {  	_ =	shalt  }
0x71: {  	_ =	shalt  }
0x72: {  	_ =	shalt  }
0x73: {  	_ =	shalt  }
0x74: {  	_ =	shalt  }
0x75: {  	_ =	shalt  }
0x76: {  	_ =	shalt  }
0x77: {  	_ =	shalt  }
0x78: {  	_ =	shalt  }
0x79: {  	_ =	shalt  }
0x7a: {  	_ =	shalt  }
0x7b: {  	_ =	shalt  }
0x7c: {  	_ =	shalt  }
0x7d: {  	_ =	shalt  }
0x7e: {  	_ =	shalt  }
0x7f: {  	_ =	shalt  }
0x80: {  	_ =	shalt  }
0x81: {  	_ =	shalt  }
0x82: {  	_ =	shalt  }
0x83: {  	_ =	shalt  }
0x84: {  	_ =	shalt  }
0x85: {  	_ =	shalt  }
0x86: {  	_ =	shalt  }
0x87: {  	_ =	shalt  }
.Lfunc_end0:
.L_simem_size_0:
called_computation_lowered:
.L_overlay_start_0:
0x88: {  	s2 =	sld [smem:$0x3FD9]  }
0x89: {  	s3 =	sld [smem:$0x3FFE];
	_ =	sdelay $0x1  }
0x8a: {  	s1 =	srdreg.scid  }
0x8b: {  	s0 =	sand.u32 $0x1, s1  }
0x8c: {  	s14 =	sshll.u32 s0, $0xA;
	s2 =	sadd.s32 s3, s2  }
0x8d: {  	s2 =	sadd.s32 s2, s14  }
0x8e: {  	[smem:$0x3FB9] =	sst s2  }
0x8f: {  	_ = 	snop  }
0x90: {  	s2 =	sld [smem:$0x3FD0];
	_ =	sdelay $0x2  }
0x91: {  	s15 =	simm.s32 $0xB;
	s4 =	simm.s32 $0x10  }
0x92: {  	[smem:s4], [sflag:s15] =	dma.local [hbm:s2], $0x1  }
0x93: {  	_ =	swait.eq [sflag:s15], $0x1  }
0x94: {  	[sflag:s15] =	ssyncset.done $0x0  }
0x95: {  	s16 =	sld [smem:$0x10];
	[sflag:s15] =	ssyncadd.s32 $0xFFFFFFFF  }
0x96: {  	s17 =	sld [smem:$0x11];
	(tm) =	ssettm $0x1  }
0x97: {  	s18 =	sld [smem:$0x3FFB];
	_ =	sdelay $0x3  }
0x98: {  	_ =	strace s18  }
0x99: {  	s4 =	sld [smem:$0x3FFC];
	_ =	sdelay $0x3  }
0x9a: {  	_ =	strace s4  }
0x9b: {  	s4 =	sld [smem:$0x3FFD];
	_ =	sdelay $0x3  }
0x9c: {  	_ =	strace s4  }
0x9d: {  	_ =	strace $0x8FFFFFFF  }
0x9e: {  	s19 =	sld [smem:$0x3FDB];
	_ =	sdelay $0x1  }
0x9f: {  	s5 =	simm.s32 $_scs_section_size  }
0xa0: {  	s6 =	simm.s32 $_size__tile_overlayer_lowered;
	s7 =	simm.s32 $_tile_overlayer_lowered  }
0xa1: {  	s22 =	simm.s32 $0x1BFF;
	s21 =	sshll.u32 s7, $0x1;
	s4 =	sadd.s32 s5, s19  }
0xa2: {  	s8 =	simm.s32 $0x0;
	s20 =	sshll.u32 s6, $0x1;
	s6 =	sadd.s32 s21, s4  }
0xa3: {  	[timem:s8], [sflag:s22] =	dma.local [hbm:s6], s20  }
0xa4: {  	_ =	swait.ge [sflag:s22], s20  }
0xa5: {  	s5 =	ssub.s32 $0x0, s20;
	[sflag:s22] =	ssyncset.done $0x0  }
0xa6: {  	[sflag:s22] =	ssyncadd.s32 s5;
	_ =	sdelay $0x1  }
0xa7: {  	s23 =	simm.s32 $0x1B8B  }
0xa8: {  	_ =	swait.ge [sflag:s23], $0x1  }
0xa9: {  	[sflag:s23] =	ssyncset.done $0x0  }
0xaa: {  	s25 =	simm.s32 $0x1B8E;
	s24 =	sld [smem:$0x3FFE];
	[sflag:s23] =	ssyncadd.s32 $0xFFFFFFFF  }
0xab: {  	s26 =	simm.s32 $execute0_lowered;
	[smem:$0x3FD2] =	sst s25  }
0xac: {  	s6 =	sshll.u32 s26, $0x1;
	_ =	strace $0x80000046;
	[dreg:$0x1] =	wrdreg $0xFFFFFFFF  }
0xad: {  	s28 =	simm.s32 $_size_execute0_lowered;
	s4 =	sadd.s32 s4, s6;
	[dreg:$0x0] =	wrdreg $0x0  }
0xae: {  	s6 =	sshll.u32 s28, $0x1;
	[dreg:$0x2] =	wrdreg s4  }
0xaf: {  	[dreg:$0x3] =	wrdreg s6  }
0xb0: {  	[dreg:$0x4] =	wrdreg $0xC0  }
0xb1: {  	_ =	task [dreg:s8], $0x5FFFF  }
0xb2: {  	[dreg:$0x1] =	wrdreg $0xFFFFFFFF  }
0xb3: {  	[dreg:$0x0] =	wrdreg $0x60  }
0xb4: {  	[dreg:$0x2] =	wrdreg s16  }
0xb5: {  	[dreg:$0x3] =	wrdreg s24  }
0xb6: {  	[dreg:$0x4] =	wrdreg s17  }
0xb7: {  	[dreg:$0x5] =	wrdreg $0x9  }
0xb8: {  	_ =	task.clear_ibuf [dreg:s8], $0x6FFFF;
	_ =	strace $0x90000046  }
0xb9: {  	s29 =	simm.s32 $0x9;
	_ =	strace $0x80000048  }
0xba: {  	_ =	swait.ge [sflag:s29], $0x1  }
0xbb: {  	[sflag:s29] =	ssyncadd.s32 $0xFFFFFFFF  }
0xbc: {  	_ =	strace $0x90000048  }
0xbd: {  	_ =	sfence  }
0xbe: {  	s30 =	sld [smem:$0x0];
	_ =	sdelay $0x2  }
0xbf: {  	s31 =	sshll.u32 s1, $0xD;
	s1 =	sshrl.u32 s1, $0x2  }
0xc0: {  	s3 =	sand.u32 $0x4000, s31;
	s1 =	sadd.s32 s1, s30  }
0xc1: {  	s0 =	sor.u32 s3, s0;
	s1 =	sshll.u32 s1, $0x11  }
0xc2: {  	s0 =	sor.u32 s1, s0  }
0xc3: {  	s0 =	sadd.s32 $0x8F2B, s0  }
0xc4: {  	[sflag:s0] =	ssyncadd.remote.s32 $0x1  }
0xc5: {  	_ =	sfence.sel $0xFFFF  }
0xc6: {  	[dreg:$0x0] =	wrdreg $0xFFFFFFFF;
	(pc) =	sbr.abs _section_cstart, $3  }
0xc7: {  	[dreg:$0x1] =	wrdreg $0xFFFFFFFF  }
0xc8: {  	_ =	task.clear_ibuf [dreg:s8], $0x2FFFF;
	_ =	strace $0x9FFFFFFF  }
0xc9: {  	(tm) =	ssettm $0x7FFFFFFF  }
tec
execute0_lowered:
.L_overlay_start_1:
0x0: {  	(tag) =	ssettag $0x1  }
0x1: {  	s0 =	rddreg [dreg:$0x0]  }
0x2: {  	s6 =	rddreg [dreg:$0x1]  }
0x3: {  	s1 =	srdreg.scid;
	s2 =	rddreg [dreg:$0x2]  }
0x4: {  	s3 =	simm.s32 $0x0;
	s12 =	simm.s32 $0x50;
	s13 =	simm.s32 $0x100  }
0x5: {  	s14 =	simm.s32 $0x2900;
	s15 =	simm.s32 $0x5100;
	s16 =	simm.s32 $0x5180  }
0x6: {  	s17 =	simm.s32 $0x5200;
	s18 =	simm.s32 $0x5280;
	s19 =	simm.s32 $0x5300  }
0x7: {  	s20 =	simm.s32 $0x5380;
	s21 =	simm.s32 $0x2;
	s22 =	simm.s32 $0x1  }
0x8: {  	s23 =	simm.s32 $0x5500;
	[dreg:$0x4] =	wrdreg s0;
	s0 =	stileid.u32  }
0x9: {  	s24 =	simm.s32 $0x5580;
	s7 =	sand.u32 $0x1, s1;
	s4 =	smul.u32 $0x4E20, s0  }
0xa: {  	[smem:$0x7FF] =	sst s3;
	s8 =	sadd.s32 $0x18400, s6;
	s5 =	smul.u32 $0x2710, s7  }
0xb: {  	_ =	strace $0x80000047;
	s25 =	smul.u32 $0x4E200, s0;
	s10 =	ssub.s32 $0x2, s7  }
0xc: {  	[dreg:$0x5] =	wrdreg s8;
	s7 =	smul.u32 $0x27100, s7;
	s11 =	sshrl.u32 s10, $0x1  }
0xd: {  	s4 =	sadd.s32 s5, s4;
	s5 =	sadd.s32 $0x17800, s6;
	s8 =	sadd.s32 s25, s6  }
0xe: {  	s26 =	ssub.s32 s10, s11;
	s10 =	simm.s32 $0x3;
	s4 =	sshrl.u32 s4, $0x3  }
0xf: {  	s11 =	simm.s32 $0x80;
	s25 =	simm.s32 $0x5600;
	s9 =	sadd.s32 s4, s6  }
0x10: {  	s8 =	sadd.s32 s7, s8;
	s4 =	sadd.s32 $0x17E00, s6;
	s28 =	sadd.s32 $0x53200, s9  }
0x11: {  	s6 =	smax.u32 s26, $0x1;
	s29 =	sadd.s32 $0x49400, s9;
	[dreg:$0x6] =	wrdreg s28  }
0x12: {  	s7 =	sadd.s32 $0x5D000, s8;
	s30 =	sadd.s32 $0x3F600, s9;
	[dreg:$0x7] =	wrdreg s29  }
0x13: {  	v0 =	vimm.f32 $1.000000000e+00;
	s8 =	sadd.s32 $0x53F000, s8;
	s31 =	sadd.s32 $0xDA00, s9;
	[dreg:$0x8] =	wrdreg s30  }
0x14: {  	v0 =	vand.u32 $0x7FFFFFFF, v0;
	s26 =	simm.s32 $0x0;
	s9 =	sadd.s32 $0x3C00, s9;
	[dreg:$0x9] =	wrdreg s31  }
.LBB2_1:
0x15: {  	s28 =	smov.u32 s8;
	s29 =	smov.u32 s7;
	s30 =	simm.s32 $0x0  }
.LBB2_2:
0x16: {  	s31 =	sadd.s32 s30, s9  }
0x17: {  	[tilespmem:s3], [sflag:$0x3] =	stream.linear.gather [hbm4b:s31+s3], $0x50, $0x38;
	[tilespmem:$0x5680] =	vst v63  }
0x18: {  	_ =	swait.ge [sflag:s10], $0x50  }
0x19: {  	s1 =	rddreg [dreg:$0x9];
	[sflag:s10] =	ssyncset.done $0x0  }
0x1a: {  	[sflag:s10] =	ssyncadd.s32 $0xFFFFFFB0;
	s31 =	sadd.s32 s30, s1  }
0x1b: {  	[tilespmem:s11], [sflag:$0x3] =	stream.linear.gather [hbm4b:s31+s3], $0x50, $0x38;
	[tilespmem:$0x5680] =	vst v63  }
0x1c: {  	_ =	swait.ge [sflag:s10], $0x50  }
0x1d: {  	[sflag:s10] =	ssyncset.done $0x0  }
0x1e: {  	s31 =	rddreg [dreg:$0x4];
	[sflag:s10] =	ssyncadd.s32 $0xFFFFFFB0  }
0x1f: {  	[tilespmem:s13], [sflag:$0x1] =	stream.indirect.gather [hbm4b:s31+s12], $0x80, s3, s12, $0xb8;
	[tilespmem:$0x5680] =	vst v63  }
0x20: {  	s1 =	rddreg [dreg:$0x5]  }
0x21: {  	[tilespmem:s14], [sflag:$0x1] =	stream.indirect.gather [hbm4b:s1+s12], $0x80, s11, s12, $0xb8;
	[tilespmem:$0x5680] =	vst v63  }
0x22: {  	_ = 	snop  }
0x23: {  	[tilespmem:s15], [sflag:$0x2] =	stream.indirect.gather [hbm4b:s4+s12], $0x1, s3, s12, $0xb8;
	[tilespmem:$0x5680] =	vst v63  }
0x24: {  	_ = 	snop  }
0x25: {  	[tilespmem:s16], [sflag:$0x2] =	stream.indirect.gather [hbm4b:s5+s12], $0x1, s3, s12, $0xb8;
	[tilespmem:$0x5680] =	vst v63  }
0x26: {  	_ = 	snop  }
0x27: {  	[tilespmem:s17], [sflag:$0x2] =	stream.indirect.gather [hbm4b:s2+s12], $0x1, s3, s12, $0xb8;
	[tilespmem:$0x5680] =	vst v63  }
0x28: {  	_ = 	snop  }
0x29: {  	[tilespmem:s18], [sflag:$0x2] =	stream.indirect.gather [hbm4b:s4+s12], $0x1, s11, s12, $0xb8;
	[tilespmem:$0x5680] =	vst v63  }
0x2a: {  	_ = 	snop  }
0x2b: {  	[tilespmem:s19], [sflag:$0x2] =	stream.indirect.gather [hbm4b:s5+s12], $0x1, s11, s12, $0xb8;
	[tilespmem:$0x5680] =	vst v63  }
0x2c: {  	_ = 	snop  }
0x2d: {  	[tilespmem:s20], [sflag:$0x2] =	stream.indirect.gather [hbm4b:s2+s12], $0x1, s11, s12, $0xb8;
	[tilespmem:$0x5680] =	vst v63  }
0x2e: {  	_ =	swait.ge [sflag:s21], $0x50  }
0x2f: {  	[sflag:s21] =	ssyncset.done $0x0  }
0x30: {  	[sflag:s21] =	ssyncadd.s32 $0xFFFFFFB0  }
0x31: {  	_ =	swait.ge [sflag:s21], $0x50  }
0x32: {  	[sflag:s21] =	ssyncset.done $0x0  }
0x33: {  	[sflag:s21] =	ssyncadd.s32 $0xFFFFFFB0  }
0x34: {  	_ =	swait.ge [sflag:s21], $0x50  }
0x35: {  	[sflag:s21] =	ssyncset.done $0x0  }
0x36: {  	[sflag:s21] =	ssyncadd.s32 $0xFFFFFFB0  }
0x37: {  	_ =	swait.ge [sflag:s21], $0x50  }
0x38: {  	[sflag:s21] =	ssyncset.done $0x0  }
0x39: {  	[sflag:s21] =	ssyncadd.s32 $0xFFFFFFB0  }
0x3a: {  	_ =	swait.ge [sflag:s21], $0x50  }
0x3b: {  	[sflag:s21] =	ssyncset.done $0x0  }
0x3c: {  	[sflag:s21] =	ssyncadd.s32 $0xFFFFFFB0  }
0x3d: {  	_ =	swait.ge [sflag:s21], $0x50  }
0x3e: {  	[sflag:s21] =	ssyncset.done $0x0  }
0x3f: {  	[sflag:s21] =	ssyncadd.s32 $0xFFFFFFB0  }
0x40: {  	v1 =	vld [tilespmem:$0x5100]  }
0x41: {  	v2 =	vld [tilespmem:$0x5280]  }
0x42: {  	v3 =	vld [tilespmem:$0x5180]  }
0x43: {  	v4 =	vld [tilespmem:$0x5300]  }
0x44: {  	v5 =	vld [tilespmem:$0x5200]  }
0x45: {  	v7 =	vld [tilespmem:$0x5380]  }
0x46: {  	v15 =	vld [tilespmem:$0x5110]  }
0x47: {  	v8 =	vld [tilespmem:$0x5290]  }
0x48: {  	v23 =	vld [tilespmem:$0x5120]  }
0x49: {  	v12 =	vld [tilespmem:$0x52A0]  }
0x4a: {  	v27 =	vld [tilespmem:$0x51A0]  }
0x4b: {  	v30 =	vld [tilespmem:$0x5320]  }
0x4c: {  	v32 =	vld [tilespmem:$0x5220]  }
0x4d: {  	v14 =	vld [tilespmem:$0x53A0]  }
0x4e: {  	v55 =	vld [tilespmem:$0x5240]  }
0x4f: {  	v58 =	vld [tilespmem:$0x53C0];
	_ =	sdelay $0x1  }
0x50: {  	v1 =	vsub.f32 v1, v2;
	v3 =	vsub.f32 v3, v4  }
0x51: {  	v5 =	vsub.f32 v5, v7;
	v4 =	vsub.f32 v15, v8  }
0x52: {  	v8 =	vsub.f32 v23, v12;
	v7 =	vsub.f32 v27, v30  }
0x53: {  	v12 =	vsub.f32 v32, v14;
	v60 =	vsub.f32 v55, v58;
	v2 =	vand.u32 $0x7FFFFFFF, v1  }
0x54: {  	v6 =	vand.u32 $0x80000000, v1;
	vm0 =	vlt.f32 v1, $0.0e+00;
	vm1 =	vgt.f32 v1, $0.0e+00  }
0x55: {  	v16 =	vand.u32 $0x80000000, v3;
	vm11 =	vlt.f32 v3, $0.0e+00;
	vm2 =	vgt.f32 v3, $0.0e+00  }
0x56: {  	v21 =	vld [tilespmem:$0x5210];
	v9 =	vand.u32 $0x7FFFFFFF, v3;
	vm13 =	vlt.f32 v5, $0.0e+00;
	vm14 =	vgt.f32 v5, $0.0e+00  }
0x57: {  	v11 =	vld [tilespmem:$0x5390];
	v19 =	vand.u32 $0x7FFFFFFF, v5;
	v20 =	vand.u32 $0x7FFFFFFF, v4;
	v10 =	vand.u32 $0x80000000, v4  }
0x58: {  	vm4 =	vlt.f32 v4, $0.0e+00;
	vm5 =	vgt.f32 v4, $0.0e+00;
	v31 =	vand.u32 $0x7FFFFFFF, v8  }
0x59: {  	v33 =	vand.u32 $0x80000000, v8;
	v36 =	vand.u32 $0x80000000, v7;
	v40 =	vand.u32 $0x80000000, v12  }
0x5a: {  	v17 =	vld [tilespmem:$0x5190];
	v14 =	vand.u32 $0x7FFFFFFF, v12;
	v62 =	vand.u32 $0x80000000, v60;
	v6 =	vor.u32 v6, v0  }
0x5b: {  	v35 =	vld [tilespmem:$0x5130];
	vm0 =	vmor vm1, vm0;
	vm10 =	vgt.f32 v2, $5.000000000e-01;
	vm12 =	vgt.f32 v9, $5.000000000e-01  }
0x5c: {  	v42 =	vld [tilespmem:$0x5230];
	vm15 =	vgt.f32 v19, $5.000000000e-01;
	v10 =	vor.u32 v10, v0;
	v9 =	vsub.f32 v21, v11  }
0x5d: {  	v15 =	vld [tilespmem:$0x52B0];
	v2 =	vsel vm0, v6, v1;
	v6 =	vor.u32 v16, v0;
	vm0 =	vmor vm2, vm11  }
0x5e: {  	v44 =	vld [tilespmem:$0x53B0];
	vm6 =	vgt.f32 v20, $5.000000000e-01;
	v16 =	vand.u32 $0x7FFFFFFF, v7;
	v6 =	vsel vm0, v6, v3  }
0x5f: {  	v18 =	vld [tilespmem:$0x5310];
	v2 =	vnsel vm10, $0x0, v2;
	vm0 =	vmor vm14, vm13;
	v29 =	vand.u32 $0x80000000, v9  }
0x60: {  	vm10 =	vlt.f32 v9, $0.0e+00;
	vm11 =	vgt.f32 v9, $0.0e+00;
	v11 =	vand.u32 $0x7FFFFFFF, v9  }
0x61: {  	vm13 =	vlt.f32 v8, $0.0e+00;
	vm14 =	vgt.f32 v8, $0.0e+00;
	v6 =	vnsel vm12, $0x0, v6  }
0x62: {  	v2 =	vsub.f32 v1, v2;
	vm12 =	vgt.f32 v11, $5.000000000e-01;
	v11 =	vsub.f32 v35, v15  }
0x63: {  	v15 =	vsub.f32 v42, v44;
	v1 =	vsub.f32 v3, v6;
	v3 =	vand.u32 $0x80000000, v5  }
0x64: {  	v6 =	vsub.f32 v17, v18;
	v3 =	vor.u32 v3, v0;
	v43 =	vand.u32 $0x7FFFFFFF, v11  }
0x65: {  	v17 =	vand.u32 $0x80000000, v11;
	v51 =	vand.u32 $0x7FFFFFFF, v15;
	v20 =	vand.u32 $0x80000000, v15  }
0x66: {  	v3 =	vsel vm0, v3, v5;
	vm0 =	vmor vm5, vm4;
	v24 =	vand.u32 $0x80000000, v6  }
0x67: {  	v39 =	vld [tilespmem:$0x51B0];
	vm7 =	vlt.f32 v6, $0.0e+00;
	vm8 =	vgt.f32 v6, $0.0e+00;
	v13 =	vand.u32 $0x7FFFFFFF, v6  }
0x68: {  	v41 =	vld [tilespmem:$0x5330];
	vm4 =	vlt.f32 v7, $0.0e+00;
	vm5 =	vgt.f32 v7, $0.0e+00;
	v17 =	vor.u32 v17, v0  }
0x69: {  	v48 =	vld [tilespmem:$0x5140];
	v52 =	vor.u32 v20, v0;
	v3 =	vnsel vm15, $0x0, v3;
	v22 =	vsel vm0, v10, v4  }
0x6a: {  	v49 =	vld [tilespmem:$0x52C0];
	v10 =	vor.u32 v24, v0;
	vm0 =	vmor vm8, vm7;
	vm9 =	vgt.f32 v13, $5.000000000e-01  }
0x6b: {  	v19 =	vld [tilespmem:$0x5340];
	v13 =	vor.u32 v33, v0;
	vm15 =	vgt.f32 v31, $5.000000000e-01;
	vm7 =	vlt.f32 v12, $0.0e+00  }
0x6c: {  	v18 =	vld [tilespmem:$0x51C0];
	vm8 =	vgt.f32 v12, $0.0e+00;
	v10 =	vsel vm0, v10, v6;
	v3 =	vsub.f32 v5, v3  }
0x6d: {  	v25 =	vnsel vm6, $0x0, v22;
	vm0 =	vmor vm11, vm10;
	vm6 =	vgt.f32 v16, $5.000000000e-01  }
0x6e: {  	vm10 =	vlt.f32 v11, $0.0e+00;
	vm11 =	vgt.f32 v11, $0.0e+00;
	v26 =	vnsel vm9, $0x0, v10  }
0x6f: {  	v4 =	vsub.f32 v4, v25;
	vm9 =	vgt.f32 v14, $5.000000000e-01;
	v10 =	vsub.f32 v39, v41  }
0x70: {  	v14 =	vsub.f32 v48, v49;
	v28 =	vsub.f32 v6, v26;
	v6 =	vor.u32 v29, v0  }
0x71: {  	v57 =	vsub.f32 v18, v19;
	v6 =	vsel vm0, v6, v9;
	vm0 =	vmor vm14, vm13  }
0x72: {  	v47 =	vand.u32 $0x80000000, v10;
	vm13 =	vlt.f32 v10, $0.0e+00;
	vm14 =	vgt.f32 v10, $0.0e+00  }
0x73: {  	[tilespmem:$0x5600] =	vst v3;
	v50 =	vand.u32 $0x7FFFFFFF, v10;
	v56 =	vand.u32 $0x7FFFFFFF, v14;
	v3 =	vand.u32 $0x80000000, v14  }
0x74: {  	v59 =	vand.u32 $0x80000000, v57;
	v61 =	vand.u32 $0x7FFFFFFF, v57;
	v6 =	vnsel vm12, $0x0, v6  }
0x75: {  	v34 =	vsel vm0, v13, v8;
	v13 =	vor.u32 v36, v0;
	vm0 =	vmor vm5, vm4  }
0x76: {  	vm12 =	vgt.f32 v43, $5.000000000e-01;
	vm4 =	vlt.f32 v15, $0.0e+00;
	vm5 =	vgt.f32 v15, $0.0e+00  }
0x77: {  	[tilespmem:$0x5510] =	vst v4;
	v3 =	vor.u32 v3, v0;
	v4 =	vor.u32 v59, v0;
	v13 =	vsel vm0, v13, v7  }
0x78: {  	v6 =	vsub.f32 v9, v6;
	v37 =	vnsel vm15, $0x0, v34;
	v9 =	vor.u32 v40, v0  }
0x79: {  	vm0 =	vmor vm8, vm7;
	vm15 =	vgt.f32 v50, $5.000000000e-01;
	vm7 =	vlt.f32 v14, $0.0e+00  }
0x7a: {  	vm8 =	vgt.f32 v14, $0.0e+00;
	v38 =	vnsel vm6, $0x0, v13;
	v8 =	vsub.f32 v8, v37  }
0x7b: {  	v9 =	vsel vm0, v9, v12;
	vm0 =	vmor vm11, vm10;
	v13 =	vor.u32 v47, v0  }
0x7c: {  	vm6 =	vgt.f32 v51, $5.000000000e-01;
	vm10 =	vlt.f32 v57, $0.0e+00;
	vm11 =	vgt.f32 v57, $0.0e+00  }
0x7d: {  	v7 =	vsub.f32 v7, v38;
	v9 =	vnsel vm9, $0x0, v9;
	v45 =	vsel vm0, v17, v11  }
0x7e: {  	[tilespmem:$0x5500] =	vst v2;
	vm0 =	vmor vm14, vm13;
	vm9 =	vgt.f32 v56, $5.000000000e-01;
	vm13 =	vlt.f32 v60, $0.0e+00  }
0x7f: {  	[tilespmem:$0x5610] =	vst v6;
	vm14 =	vgt.f32 v60, $0.0e+00;
	v6 =	vor.u32 v62, v0;
	v9 =	vsub.f32 v12, v9  }
0x80: {  	[tilespmem:$0x5580] =	vst v1;
	v46 =	vnsel vm12, $0x0, v45;
	v13 =	vsel vm0, v13, v10;
	vm0 =	vmor vm5, vm4  }
0x81: {  	[tilespmem:$0x5590] =	vst v28;
	vm12 =	vgt.f32 v61, $5.000000000e-01;
	v13 =	vnsel vm15, $0x0, v13;
	v53 =	vsel vm0, v52, v15  }
0x82: {  	[tilespmem:$0x5520] =	vst v8;
	v2 =	vsub.f32 v11, v46;
	vm0 =	vmor vm8, vm7;
	v10 =	vsub.f32 v10, v13  }
0x83: {  	[tilespmem:$0x55A0] =	vst v7;
	v54 =	vnsel vm6, $0x0, v53;
	v3 =	vsel vm0, v3, v14;
	vm0 =	vmor vm11, vm10  }
0x84: {  	[tilespmem:$0x5620] =	vst v9;
	v1 =	vsub.f32 v15, v54;
	v3 =	vnsel vm9, $0x0, v3;
	v4 =	vsel vm0, v4, v57  }
0x85: {  	[tilespmem:$0x5530] =	vst v2;
	vm0 =	vmor vm14, vm13;
	v2 =	vand.u32 $0x7FFFFFFF, v60;
	v3 =	vsub.f32 v14, v3  }
0x86: {  	[tilespmem:$0x55B0] =	vst v10;
	vm15 =	vgt.f32 v2, $5.000000000e-01;
	v2 =	vnsel vm12, $0x0, v4;
	v63 =	vsel vm0, v6, v60  }
0x87: {  	[tilespmem:$0x5630] =	vst v1;
	v1 =	vsub.f32 v57, v2;
	v2 =	vnsel vm15, $0x0, v63  }
0x88: {  	[tilespmem:$0x5540] =	vst v3;
	v2 =	vsub.f32 v60, v2  }
0x89: {  	[tilespmem:$0x55C0] =	vst v1  }
0x8a: {  	[tilespmem:$0x5640] =	vst v2  }
0x8b: {  	_ =	swait.ge [sflag:s22], $0x2800  }
0x8c: {  	[sflag:s22] =	ssyncset.done $0x0  }
0x8d: {  	[sflag:s22] =	ssyncadd.s32 $0xFFFFD800  }
0x8e: {  	_ =	swait.ge [sflag:s22], $0x2800  }
0x8f: {  	[sflag:s22] =	ssyncset.done $0x0  }
0x90: {  	[sflag:s22] =	ssyncadd.s32 $0xFFFFD800  }
0x91: {  	[hbm4b:s29+s3] =	stream.linear.scatter [tilespmem:s13], [sflag:$0x3], $0x2800, $0x38;
	[tilespmem:$0x5680] =	vst v63  }
0x92: {  	_ =	swait.ge [sflag:s10], $0x2800  }
0x93: {  	[sflag:s10] =	ssyncset.done $0x0  }
0x94: {  	[sflag:s10] =	ssyncadd.s32 $0xFFFFD800  }
0x95: {  	[hbm4b:s28+s3] =	stream.linear.scatter [tilespmem:s14], [sflag:$0x3], $0x2800, $0x38;
	[tilespmem:$0x5680] =	vst v63  }
0x96: {  	_ =	swait.ge [sflag:s10], $0x2800  }
0x97: {  	s31 =	rddreg [dreg:$0x8];
	[sflag:s10] =	ssyncset.done $0x0  }
0x98: {  	[sflag:s10] =	ssyncadd.s32 $0xFFFFD800;
	s1 =	sadd.s32 s30, s31  }
0x99: {  	[hbm4b:s1+s3] =	stream.linear.scatter [tilespmem:s23], [sflag:$0x3], $0x50, $0x38;
	[tilespmem:$0x5680] =	vst v63  }
0x9a: {  	_ =	swait.ge [sflag:s10], $0x50  }
0x9b: {  	s31 =	rddreg [dreg:$0x7];
	[sflag:s10] =	ssyncset.done $0x0  }
0x9c: {  	[sflag:s10] =	ssyncadd.s32 $0xFFFFFFB0;
	s1 =	sadd.s32 s30, s31  }
0x9d: {  	[hbm4b:s1+s3] =	stream.linear.scatter [tilespmem:s24], [sflag:$0x3], $0x50, $0x38;
	[tilespmem:$0x5680] =	vst v63  }
0x9e: {  	_ =	swait.ge [sflag:s10], $0x50  }
0x9f: {  	p0 =	sne.s32 s30, $0x4D8;
	s31 =	rddreg [dreg:$0x6];
	[sflag:s10] =	ssyncset.done $0x0  }
.Ltmp0:
0xa0: {  	[sflag:s10] =	ssyncadd.s32 $0xFFFFFFB0;
	s1 =	sadd.s32 s30, s31;
	(pc) =	sbr.rel @p0 .LBB2_2-.Ltmp0, $4  }
0xa1: {  	[hbm4b:s1+s3] =	stream.linear.scatter [tilespmem:s25], [sflag:$0x3], $0x50, $0x38;
	[tilespmem:$0x5680] =	vst v63  }
0xa2: {  	_ =	swait.ge [sflag:s10], $0x50  }
0xa3: {  	s29 =	sadd.s32 $0x500, s29;
	[sflag:s10] =	ssyncset.done $0x0  }
0xa4: {  	s28 =	sadd.s32 $0x500, s28;
	s30 =	sadd.s32 $0xA, s30;
	[sflag:s10] =	ssyncadd.s32 $0xFFFFFFB0  }
0xa5: {  	s26 =	sadd.s32 $0x1, s26  }
0xa6: {  	p0 =	sne.s32 s26, s6  }
.Ltmp1:
0xa7: {  	_ = 	snop;
	(pc) =	sbr.rel @p0 .LBB2_1-.Ltmp1, $1  }
0xa8: {  	_ =	sdelay $0x3  }
0xa9: {  	_ =	sfence.sel $0x180000  }
0xaa: {  	[bflag:$0x0] =	sbarrier.arrive $0xFFFF  }
0xab: {  	_ =	strace $0x90000047  }
0xac: {  	[bflag:$0x2] =	sbarrier.arrive $0xFFFF  }
0xad: {  	p0 =	sne.s32 s0, $0x0;
	s0 =	rddreg [dreg:$0x3]  }
0xae: {  	s0 =	sadd.s32 @!p0 $0x100000, s0  }
0xaf: {  	[sflag:s0] =	ssyncadd.tile.s32 @!p0 $0x1;
	_ =	shalt  }
.Lfunc_end2:
_tile_overlayer_lowered:
.L_overlay_start_2:
0xb0: {  	(tag) =	ssettag $0x2  }
0xb1: {  	s0 =	rddreg [dreg:$0x0];
	s2 =	stileid.u32  }
0xb2: {  	s1 =	rddreg [dreg:$0x1];
	p0 =	sne.s32 s2, $0x0  }
0xb3: {  	s3 =	rddreg [dreg:$0x2];
	[bflag:$0x3] =	sbarrier.arrive $0xFFFF;
	s2 =	simm.s32 @!p0 $0x1C03  }
0xb4: {  	[timem:s3], [sflag:s2] =	dma.local @!p0 [hbm:s0], s1  }
0xb5: {  	s0 =	simm.s32 @!p0 $0x3  }
0xb6: {  	_ =	swait.ge @!p0 [sflag:s0], s1  }
0xb7: {  	s1 =	ssub.s32 @!p0 $0x0, s1;
	[sflag:s0] =	ssyncset.done @!p0 $0x0  }
0xb8: {  	[sflag:s0] =	ssyncadd.s32 @!p0 s1  }
0xb9: {  	[bflag:$0x3] =	sbarrier.arrive $0xFFFF  }
0xba: {  	_ =	shalt  }

</sc_bundles>
